<compile_context>
chip_gen: v7x
topology: tpu7x:2x2x1
jax: 0.10.2.dev20260603
libtpu: 0.0.44.dev20260713+nightly
codegen_flags: <defaults>
</compile_context>

<pallas_src>
import jax
import jax.numpy as jnp
from jax import lax
from jax.experimental import pallas as pl

_GRID_SIZES = (19, 38, 76)
_INP_DIM = 608.0
_NUM_ANCH = 3
_L_COORD = 1.0
_L_OBJ = 5.0
_L_NOOBJ = 0.5
_B, _T = 16, 8
_N = 3 * (19 * 19 + 38 * 38 + 76 * 76)
_C = 85
_NUM_CLASSES = 80
_M = _B * _T
_K = 9

_TN = 2048
_NSTEP = -(-_N // _TN)

_AW = (116., 156., 373., 30., 62., 59., 10., 16., 33.)
_AH = (90., 198., 326., 61., 45., 119., 13., 30., 23.)


def _a_body(confT_ref, cx_ref, cy_ref, cw_ref, ch_ref, candis_ref, tb_ref,
            noobj_ref, cols_ref, ti_ref):
    j = pl.program_id(0)
    conf = confT_ref[0]
    lane = lax.broadcasted_iota(jnp.int32, (_B, _TN), 1) + j * _TN
    x = jnp.where(lane < _N, 1.0 - conf, 1.0)
    s = jnp.sum(jnp.maximum(jnp.log(x), -100.0))

    @pl.when(j == 0)
    def _init():
        noobj_ref[...] = s.reshape(1, 1)
        cx, cy = cx_ref[...], cy_ref[...]
        cw, ch = cw_ref[...], ch_ref[...]
        x1, y1 = cx - cw / 2.0, cy - ch / 2.0
        x2, y2 = cx + cw / 2.0, cy + ch / 2.0
        tb = tb_ref[...]
        ix1 = jnp.maximum(tb[:, 0:1], x1)
        iy1 = jnp.maximum(tb[:, 1:2], y1)
        ix2 = jnp.minimum(tb[:, 2:3], x2)
        iy2 = jnp.minimum(tb[:, 3:4], y2)
        inter = jnp.maximum(ix2 - ix1, 0.0) * jnp.maximum(iy2 - iy1, 0.0)
        a1 = (tb[:, 2:3] - tb[:, 0:1]) * (tb[:, 3:4] - tb[:, 1:2])
        a2 = (x2 - x1) * (y2 - y1)
        iou = inter / (a1 + a2 - inter + 1e-16)
        kio = lax.broadcasted_iota(jnp.int32, (_M, _K), 1)
        mx = jnp.max(iou, axis=1, keepdims=True)
        ti = jnp.min(jnp.where(iou == mx, kio, _K), axis=1, keepdims=True)
        cols_ref[...] = jnp.sum(
            jnp.where(kio == ti, candis_ref[...], 0), axis=1, keepdims=True)
        ti_ref[...] = ti

    @pl.when(j > 0)
    def _acc():
        noobj_ref[...] += s.reshape(1, 1)


def _b_body(noobj_ref, ids_c_ref, ids_r_ref, ti_ref, cls_ref, conf_ref,
            csel_ref, boxes_ref, ycls_ref, out_ref):
    ti = ti_ref[...]
    gidx = ti // _NUM_ANCH
    gf = jnp.where(gidx == 0, 19.0, jnp.where(gidx == 1, 38.0, 76.0))
    aw = jnp.full((_M, 1), _AW[0], jnp.float32)
    ah = jnp.full((_M, 1), _AH[0], jnp.float32)
    for k in range(1, _K):
        aw = jnp.where(ti == k, _AW[k], aw)
        ah = jnp.where(ti == k, _AH[k], ah)
    boxes = boxes_ref[...]
    bx, by = boxes[:, 0:1], boxes[:, 1:2]
    bw, bh = boxes[:, 2:3], boxes[:, 3:4]
    fx = bx * gf
    fy = by * gf
    fx = fx - jnp.floor(fx) + 1e-05
    fy = fy - jnp.floor(fy) + 1e-05
    tx = jnp.log(fx / (1.0 - fx))
    ty = jnp.log(fy / (1.0 - fy))
    tw = jnp.log(bw * _INP_DIM / aw)
    th = jnp.log(bh * _INP_DIM / ah)
    cs = csel_ref[...]
    coord_loss = _L_COORD * jnp.sum(
        (cs[:, 0:1] - tx) ** 2 + (cs[:, 1:2] - ty) ** 2
        + (cs[:, 2:3] - tw) ** 2 + (cs[:, 3:4] - th) ** 2)

    c80 = lax.broadcasted_iota(jnp.int32, (_M, _NUM_CLASSES), 1)
    tcls = jnp.where(c80 == ycls_ref[...], 1.0, 0.0)
    p = cls_ref[...]
    cls_loss = -jnp.sum(
        jnp.maximum(jnp.log(p), -100.0) * tcls
        + jnp.maximum(jnp.log(1.0 - p), -100.0) * (1.0 - tcls))

    eq = ids_c_ref[...] == ids_r_ref[...]
    lower = (lax.broadcasted_iota(jnp.int32, (_M, _M), 1)
             < lax.broadcasted_iota(jnp.int32, (_M, _M), 0))
    ndup = jnp.sum(jnp.where(eq & lower, 1.0, 0.0), axis=1, keepdims=True)
    first = jnp.where(ndup > 0.0, 0.0, 1.0)
    cg = conf_ref[...]
    logp = jnp.maximum(jnp.log(cg), -100.0)
    l1m = jnp.maximum(jnp.log(1.0 - cg), -100.0)
    noobj_total = jnp.sum(noobj_ref[...])
    conf_loss = (_L_OBJ * (-jnp.sum(logp * first))
                 + _L_NOOBJ * (-(noobj_total - jnp.sum(l1m * first))))
    out_ref[...] = (coord_loss + conf_loss + cls_loss).reshape(1, 1)


def kernel(pred_x, coord_x, y_cls, y_coord):
    f32, i32 = jnp.float32, jnp.int32
    predT = jnp.transpose(pred_x, (2, 0, 1))
    coordT = jnp.transpose(coord_x, (2, 0, 1))

    boxes = y_coord.reshape(-1, 4)
    rows = jnp.repeat(jnp.arange(_B, dtype=i32), _T)
    cand_parts = []
    base = 0
    for g in _GRID_SIZES:
        idx0 = base + ((jnp.floor(boxes[:, 1] * g)
                        + jnp.floor(boxes[:, 0] * g) * g) * _NUM_ANCH
                       ).astype(i32)
        cand_parts.append(idx0[:, None]
                          + jnp.arange(_NUM_ANCH, dtype=i32)[None, :])
        base += g * g * _NUM_ANCH
    candis = jnp.concatenate(cand_parts, axis=1)
    tb = jnp.stack([_INP_DIM * (boxes[:, 0] - boxes[:, 2] / 2),
                    _INP_DIM * (boxes[:, 1] - boxes[:, 3] / 2),
                    _INP_DIM * (boxes[:, 0] + boxes[:, 2] / 2),
                    _INP_DIM * (boxes[:, 1] + boxes[:, 3] / 2)], axis=1)

    ci_cand = jnp.broadcast_to(
        candis.reshape(1, _B, _T * _K), (_C, _B, _T * _K))
    gat = jnp.take_along_axis(predT, ci_cand, axis=2)[:4]
    cxc = gat[0].reshape(_M, _K)
    cyc = gat[1].reshape(_M, _K)
    cwc = gat[2].reshape(_M, _K)
    chc = gat[3].reshape(_M, _K)

    noobj, cols2, ti2 = pl.pallas_call(
        _a_body,
        grid=(_NSTEP,),
        in_specs=[
            pl.BlockSpec((1, _B, _TN), lambda j: (4, 0, j)),
            pl.BlockSpec((_M, _K), lambda j: (0, 0)),
            pl.BlockSpec((_M, _K), lambda j: (0, 0)),
            pl.BlockSpec((_M, _K), lambda j: (0, 0)),
            pl.BlockSpec((_M, _K), lambda j: (0, 0)),
            pl.BlockSpec((_M, _K), lambda j: (0, 0)),
            pl.BlockSpec((_M, 4), lambda j: (0, 0)),
        ],
        out_specs=[
            pl.BlockSpec((1, 1), lambda j: (0, 0)),
            pl.BlockSpec((_M, 1), lambda j: (0, 0)),
            pl.BlockSpec((_M, 1), lambda j: (0, 0)),
        ],
        out_shape=[
            jax.ShapeDtypeStruct((1, 1), f32),
            jax.ShapeDtypeStruct((_M, 1), i32),
            jax.ShapeDtypeStruct((_M, 1), i32),
        ],
    )(predT, cxc, cyc, cwc, chc, candis, tb)

    cols = cols2.reshape(-1)
    ids = rows * _N + cols

    ci_sel = jnp.broadcast_to(cols.reshape(1, _B, _T), (_C, _B, _T))
    selT = jnp.take_along_axis(predT, ci_sel, axis=2)
    sel = selT.transpose(1, 2, 0).reshape(_M, _C)
    ci_co = jnp.broadcast_to(cols.reshape(1, _B, _T), (4, _B, _T))
    csel = jnp.take_along_axis(coordT, ci_co, axis=2
                               ).transpose(1, 2, 0).reshape(_M, 4)

    out = pl.pallas_call(
        _b_body,
        in_specs=[
            pl.BlockSpec((1, 1), lambda: (0, 0)),
            pl.BlockSpec((_M, 1), lambda: (0, 0)),
            pl.BlockSpec((1, _M), lambda: (0, 0)),
            pl.BlockSpec((_M, 1), lambda: (0, 0)),
            pl.BlockSpec((_M, _NUM_CLASSES), lambda: (0, 0)),
            pl.BlockSpec((_M, 1), lambda: (0, 0)),
            pl.BlockSpec((_M, 4), lambda: (0, 0)),
            pl.BlockSpec((_M, 4), lambda: (0, 0)),
            pl.BlockSpec((_M, 1), lambda: (0, 0)),
        ],
        out_specs=pl.BlockSpec((1, 1), lambda: (0, 0)),
        out_shape=jax.ShapeDtypeStruct((1, 1), f32),
    )(noobj, ids.reshape(_M, 1), ids.reshape(1, _M), ti2,
      sel[:, 5:], sel[:, 4:5], csel, boxes,
      y_cls.reshape(_M, 1))

    return out.reshape(())

# --- scband reference (transcript-rebuilt; emitter-appended) ---
"""Pipeline reference for scband-yolo-loss-20761871909528 (READ-ONLY COPY).

The authoritative reference and input builder live on the scoring server;
editing this copy changes nothing except your own understanding.
"""

import jax, jax.numpy as jnp
import numpy as np

ANCHORS = np.array([[[116.,90.],[156.,198.],[373.,326.]],[[30.,61.],[62.,45.],[59.,119.]],[[10.,13.],[16.,30.],[33.,23.]]], dtype=np.float32)
GRID_SIZES = [19, 38, 76]
INP_DIM = 608.0
NUM_ANCH = 3
LAMBDA_COORD = 1.0
LAMBDA_OBJ = 5.0
LAMBDA_NOOBJ = 0.5
B, T = 16, 8
N = 3 * (19 * 19 + 38 * 38 + 76 * 76)
NUM_CLASSES = 80


def setup_inputs(seed: int = 0):
    key = jax.random.key(seed)
    k1, k2, k3, k4 = jax.random.split(key, 4)
    pred_x = jax.random.uniform(k1, (B, N, 5 + NUM_CLASSES), dtype=jnp.float32)
    coord_x = jax.random.normal(k2, (B, N, 4), dtype=jnp.float32)
    y_cls = jax.random.randint(k3, (B, T), 0, NUM_CLASSES, dtype=jnp.int32)
    y_coord = jax.random.uniform(k4, (B, T, 4), dtype=jnp.float32)
    return {"pred_x": pred_x, "coord_x": coord_x, "y_cls": y_cls, "y_coord": y_coord}


def _bbox_iou(box1, box2):
    # box1: [M, 4] corner format, box2: [M, K, 4] corner format
    ix1 = jnp.maximum(box1[:, None, 0], box2[:, :, 0])
    iy1 = jnp.maximum(box1[:, None, 1], box2[:, :, 1])
    ix2 = jnp.minimum(box1[:, None, 2], box2[:, :, 2])
    iy2 = jnp.minimum(box1[:, None, 3], box2[:, :, 3])
    inter = jnp.maximum(ix2 - ix1, 0.0) * jnp.maximum(iy2 - iy1, 0.0)
    a1 = (box1[:, 2] - box1[:, 0]) * (box1[:, 3] - box1[:, 1])
    a2 = (box2[:, :, 2] - box2[:, :, 0]) * (box2[:, :, 3] - box2[:, :, 1])
    return inter / (a1[:, None] + a2 - inter + 1e-16)


def _assign(pred_corners, y_coord):
    # traceable, fixed-shape: replicates the python target-assignment loop
    Bn, Tn, _ = y_coord.shape
    boxes = y_coord.reshape(-1, 4)  # [M, 4], image-major like the loop
    cand_parts = []
    base = 0
    for g in GRID_SIZES:
        idx0 = base + ((jnp.floor(boxes[:, 1] * g) + jnp.floor(boxes[:, 0] * g) * g) * NUM_ANCH).astype(jnp.int32)
        cand_parts.append(idx0[:, None] + jnp.arange(NUM_ANCH, dtype=jnp.int32)[None, :])
        base += g * g * 3
    candis = jnp.concatenate(cand_parts, axis=1)  # [M, 3*len(GRID_SIZES)]
    tb = jnp.stack([INP_DIM * (boxes[:, 0] - boxes[:, 2] / 2), INP_DIM * (boxes[:, 1] - boxes[:, 3] / 2),
                    INP_DIM * (boxes[:, 0] + boxes[:, 2] / 2), INP_DIM * (boxes[:, 1] + boxes[:, 3] / 2)], axis=1)
    rows = jnp.repeat(jnp.arange(Bn, dtype=jnp.int32), Tn)  # [M]
    cand_boxes = pred_corners[rows[:, None], candis]  # [M, K, 4]
    ious = _bbox_iou(tb, cand_boxes)
    ti = jnp.argmax(ious, axis=1).astype(jnp.int32)
    cols = jnp.take_along_axis(candis, ti[:, None], axis=1)[:, 0]
    gidx = ti // NUM_ANCH
    aidx = ti % NUM_ANCH
    return rows, cols, gidx, aidx


def reference(pred_x, coord_x, y_cls, y_coord):
    # convert center/wh predictions to corner format (in-place mutation in torch)
    bxy1 = pred_x[:, :, :2] - pred_x[:, :, 2:4] / 2.0
    bxy2 = pred_x[:, :, :2] + pred_x[:, :, 2:4] / 2.0
    pred = jnp.concatenate([bxy1, bxy2, pred_x[:, :, 4:]], axis=-1)
    rows, cols, gidx, aidx = _assign(pred[:, :, :4], y_coord)
    rows_j = rows
    cols_j = cols
    grid_f = jnp.asarray(np.array(GRID_SIZES, dtype=np.float32))[gidx]
    anchor = jnp.asarray(ANCHORS)[gidx, aidx]  # [M, 2]
    boxes = y_coord.reshape(-1, 4)  # same ordering as the loop (image-major)
    txy = (boxes[:, :2] * grid_f[:, None]) % 1.0 + 1e-05
    txy = jnp.log(txy / (1.0 - txy))
    twh = jnp.log(boxes[:, 2:] * INP_DIM / anchor)
    target_coord = jnp.concatenate([txy, twh], axis=-1)
    tcls = jax.nn.one_hot(y_cls.reshape(-1), NUM_CLASSES, dtype=jnp.float32)
    conf = pred[:, :, 4]
    tconf = jnp.zeros_like(conf).at[rows_j, cols_j].set(1.0)
    coord_sel = coord_x[rows_j, cols_j]
    coord_loss = LAMBDA_COORD * jnp.sum((coord_sel - target_coord) ** 2)
    logp = jnp.clip(jnp.log(conf), -100.0, None)
    log1mp = jnp.clip(jnp.log(1.0 - conf), -100.0, None)
    conf_loss = LAMBDA_OBJ * (-jnp.sum(logp * tconf)) + LAMBDA_NOOBJ * (-jnp.sum(log1mp * (1.0 - tconf)))
    cls_pred = pred[rows_j, cols_j][:, 5:]
    cls_loss = -jnp.sum(jnp.clip(jnp.log(cls_pred), -100.0, None) * tcls + jnp.clip(jnp.log(1.0 - cls_pred), -100.0, None) * (1.0 - tcls))
    return coord_loss + conf_loss + cls_loss

if __name__ == "__main__":
    import jax
    _d = setup_inputs()
    print(jax.jit(kernel)(*tuple(_d.values())))

</pallas_src>

<mosaic_0001>
module attributes {stable_mosaic.version = 14 : i64} {
  func.func @_a_body(%arg0: i32, %arg1: memref<1x16x2048xf32, #tpu.memory_space<vmem>>, %arg2: memref<128x9xf32, #tpu.memory_space<vmem>>, %arg3: memref<128x9xf32, #tpu.memory_space<vmem>>, %arg4: memref<128x9xf32, #tpu.memory_space<vmem>>, %arg5: memref<128x9xf32, #tpu.memory_space<vmem>>, %arg6: memref<128x9xi32, #tpu.memory_space<vmem>>, %arg7: memref<128x4xf32, #tpu.memory_space<vmem>>, %arg8: memref<1x1xf32, #tpu.memory_space<vmem>>, %arg9: memref<128x1xi32, #tpu.memory_space<vmem>>, %arg10: memref<128x1xi32, #tpu.memory_space<vmem>>) attributes {dimension_semantics = [#tpu.dimension_semantics<arbitrary>], iteration_bounds = array<i64: 12>, scalar_prefetch = 0 : i64, scratch_operands = 0 : i64, tpu.core_type = #tpu.core_type<tc>, window_params = [{transform_indices = @transform_0, window_bounds = array<i64: 1, 16, 2048>}, {pipeline_mode = #tpu.pipeline_mode<synchronous>, transform_indices = @transform_1, window_bounds = array<i64: 128, 9>}, {pipeline_mode = #tpu.pipeline_mode<synchronous>, transform_indices = @transform_2, window_bounds = array<i64: 128, 9>}, {pipeline_mode = #tpu.pipeline_mode<synchronous>, transform_indices = @transform_3, window_bounds = array<i64: 128, 9>}, {pipeline_mode = #tpu.pipeline_mode<synchronous>, transform_indices = @transform_4, window_bounds = array<i64: 128, 9>}, {pipeline_mode = #tpu.pipeline_mode<synchronous>, transform_indices = @transform_5, window_bounds = array<i64: 128, 9>}, {pipeline_mode = #tpu.pipeline_mode<synchronous>, transform_indices = @transform_6, window_bounds = array<i64: 128, 4>}, {pipeline_mode = #tpu.pipeline_mode<synchronous>, transform_indices = @transform_7, window_bounds = array<i64: 1, 1>}, {pipeline_mode = #tpu.pipeline_mode<synchronous>, transform_indices = @transform_8, window_bounds = array<i64: 128, 1>}, {pipeline_mode = #tpu.pipeline_mode<synchronous>, transform_indices = @transform_9, window_bounds = array<i64: 128, 1>}]} {
    %get3A = arith.constant 0 : index
    %get3A_0 = arith.constant 0 : index
    %get3A_1 = arith.constant 0 : index
    %get3A_2 = vector.load %arg1[%get3A, %get3A_0, %get3A_1] : memref<1x16x2048xf32, #tpu.memory_space<vmem>>, vector<1x16x2048xf32>
    %get3A_3 = vector.shape_cast %get3A_2 : vector<1x16x2048xf32> to vector<16x2048xf32>
    %iota3A = tpu.iota {dimensions = array<i32: 1>} : vector<16x2048xi32>
    %mul3A = arith.constant 2048 : i32
    %mul3A_4 = arith.muli %arg0, %mul3A : i32
    %add3A = vector.broadcast %mul3A_4 : i32 to vector<16x2048xi32>
    %add3A_5 = arith.addi %iota3A, %add3A : vector<16x2048xi32>
    %lt3A = arith.constant 22743 : i32
    %lt3A_6 = vector.broadcast %lt3A : i32 to vector<16x2048xi32>
    %lt3A_7 = arith.cmpi slt, %add3A_5, %lt3A_6 : vector<16x2048xi32>
    %sub3A = arith.constant 1.000000e+00 : f32
    %sub3A_8 = vector.broadcast %sub3A : f32 to vector<16x2048xf32>
    %sub3A_9 = arith.subf %sub3A_8, %get3A_3 : vector<16x2048xf32>
    %jit3A = arith.constant 1.000000e+00 : f32
    %broadcast_in_dim3A = vector.broadcast %jit3A : f32 to vector<16x2048xf32>
    %select_n3A = arith.select %lt3A_7, %sub3A_9, %broadcast_in_dim3A : vector<16x2048xi1>, vector<16x2048xf32>
    %log3A = math.log %select_n3A : vector<16x2048xf32>
    %max3A = arith.constant -1.000000e+02 : f32
    %max3A_10 = vector.broadcast %max3A : f32 to vector<16x2048xf32>
    %max3A_11 = arith.maximumf %log3A, %max3A_10 : vector<16x2048xf32>
    %reduce_sum3A = vector.shape_cast %max3A_11 : vector<16x2048xf32> to vector<1x16x2048xf32>
    %reduce_sum3A_12 = arith.constant dense<0.000000e+00> : vector<1xf32>
    %reduce_sum3A_13 = vector.multi_reduction <add>, %reduce_sum3A, %reduce_sum3A_12 [1, 2] : vector<1x16x2048xf32> to vector<1xf32>
    %reduce_sum3A_14 = vector.shape_cast %reduce_sum3A_13 : vector<1xf32> to vector<1x1x1xf32>
    %reduce_sum3A_15 = vector.extract %reduce_sum3A_14[0, 0, 0] : f32 from vector<1x1x1xf32>
    %eq3A = arith.constant 0 : i32
    %eq3A_16 = arith.cmpi eq, %arg0, %eq3A : i32
    %convert_element_type3A = arith.extui %eq3A_16 : i1 to i32
    %cond3A = arith.constant 0 : i32
    %cond3A_17 = arith.cmpi ne, %convert_element_type3A, %cond3A : i32
    scf.if %cond3A_17 {
      %reshape3A = vector.broadcast %reduce_sum3A_15 : f32 to vector<1x1xf32>
      %swap3A = arith.constant 0 : index
      %swap3A_22 = arith.constant 0 : index
      %swap3A_23 = vector.load %arg8[%swap3A, %swap3A_22] : memref<1x1xf32, #tpu.memory_space<vmem>>, vector<1x1xf32>
      tpu.vector_store %arg8[%swap3A, %swap3A_22], %reshape3A {strides = array<i32>} : memref<1x1xf32, #tpu.memory_space<vmem>>, vector<1x1xf32>,
      %get3A_24 = arith.constant 0 : index
      %get3A_25 = arith.constant 0 : index
      %get3A_26 = vector.load %arg2[%get3A_24, %get3A_25] : memref<128x9xf32, #tpu.memory_space<vmem>>, vector<128x9xf32>
      %get3A_27 = arith.constant 0 : index
      %get3A_28 = arith.constant 0 : index
      %get3A_29 = vector.load %arg3[%get3A_27, %get3A_28] : memref<128x9xf32, #tpu.memory_space<vmem>>, vector<128x9xf32>
      %get3A_30 = arith.constant 0 : index
      %get3A_31 = arith.constant 0 : index
      %get3A_32 = vector.load %arg4[%get3A_30, %get3A_31] : memref<128x9xf32, #tpu.memory_space<vmem>>, vector<128x9xf32>
      %get3A_33 = arith.constant 0 : index
      %get3A_34 = arith.constant 0 : index
      %get3A_35 = vector.load %arg5[%get3A_33, %get3A_34] : memref<128x9xf32, #tpu.memory_space<vmem>>, vector<128x9xf32>
      %div3A = arith.constant 2.000000e+00 : f32
      %div3A_36 = vector.broadcast %div3A : f32 to vector<128x9xf32>
      %div3A_37 = arith.divf %get3A_32, %div3A_36 : vector<128x9xf32>
      %sub3A_38 = arith.subf %get3A_26, %div3A_37 : vector<128x9xf32>
      %div3A_39 = arith.constant 2.000000e+00 : f32
      %div3A_40 = vector.broadcast %div3A_39 : f32 to vector<128x9xf32>
      %div3A_41 = arith.divf %get3A_35, %div3A_40 : vector<128x9xf32>
      %sub3A_42 = arith.subf %get3A_29, %div3A_41 : vector<128x9xf32>
      %div3A_43 = arith.constant 2.000000e+00 : f32
      %div3A_44 = vector.broadcast %div3A_43 : f32 to vector<128x9xf32>
      %div3A_45 = arith.divf %get3A_32, %div3A_44 : vector<128x9xf32>
      %add3A_46 = arith.addf %get3A_26, %div3A_45 : vector<128x9xf32>
      %div3A_47 = arith.constant 2.000000e+00 : f32
      %div3A_48 = vector.broadcast %div3A_47 : f32 to vector<128x9xf32>
      %div3A_49 = arith.divf %get3A_35, %div3A_48 : vector<128x9xf32>
      %add3A_50 = arith.addf %get3A_29, %div3A_49 : vector<128x9xf32>
      %get3A_51 = arith.constant 0 : index
      %get3A_52 = arith.constant 0 : index
      %get3A_53 = vector.load %arg7[%get3A_51, %get3A_52] : memref<128x4xf32, #tpu.memory_space<vmem>>, vector<128x4xf32>
      %slice3A = vector.extract_strided_slice %get3A_53 {offsets = [0, 0], sizes = [128, 1], strides = [1, 1]} : vector<128x4xf32> to vector<128x1xf32>
      %max3A_54 = vector.broadcast %slice3A : vector<128x1xf32> to vector<128x9xf32>
      %max3A_55 = arith.maximumf %max3A_54, %sub3A_38 : vector<128x9xf32>
      %slice3A_56 = vector.extract_strided_slice %get3A_53 {offsets = [0, 1], sizes = [128, 1], strides = [1, 1]} : vector<128x4xf32> to vector<128x1xf32>
      %max3A_57 = vector.broadcast %slice3A_56 : vector<128x1xf32> to vector<128x9xf32>
      %max3A_58 = arith.maximumf %max3A_57, %sub3A_42 : vector<128x9xf32>
      %slice3A_59 = vector.extract_strided_slice %get3A_53 {offsets = [0, 2], sizes = [128, 1], strides = [1, 1]} : vector<128x4xf32> to vector<128x1xf32>
      %min3A = vector.broadcast %slice3A_59 : vector<128x1xf32> to vector<128x9xf32>
      %min3A_60 = arith.minimumf %min3A, %add3A_46 : vector<128x9xf32>
      %slice3A_61 = vector.extract_strided_slice %get3A_53 {offsets = [0, 3], sizes = [128, 1], strides = [1, 1]} : vector<128x4xf32> to vector<128x1xf32>
      %min3A_62 = vector.broadcast %slice3A_61 : vector<128x1xf32> to vector<128x9xf32>
      %min3A_63 = arith.minimumf %min3A_62, %add3A_50 : vector<128x9xf32>
      %sub3A_64 = arith.subf %min3A_60, %max3A_55 : vector<128x9xf32>
      %max3A_65 = arith.constant 0.000000e+00 : f32
      %max3A_66 = vector.broadcast %max3A_65 : f32 to vector<128x9xf32>
      %max3A_67 = arith.maximumf %sub3A_64, %max3A_66 : vector<128x9xf32>
      %sub3A_68 = arith.subf %min3A_63, %max3A_58 : vector<128x9xf32>
      %max3A_69 = arith.constant 0.000000e+00 : f32
      %max3A_70 = vector.broadcast %max3A_69 : f32 to vector<128x9xf32>
      %max3A_71 = arith.maximumf %sub3A_68, %max3A_70 : vector<128x9xf32>
      %mul3A_72 = arith.mulf %max3A_67, %max3A_71 : vector<128x9xf32>
      %slice3A_73 = vector.extract_strided_slice %get3A_53 {offsets = [0, 2], sizes = [128, 1], strides = [1, 1]} : vector<128x4xf32> to vector<128x1xf32>
      %slice3A_74 = vector.extract_strided_slice %get3A_53 {offsets = [0, 0], sizes = [128, 1], strides = [1, 1]} : vector<128x4xf32> to vector<128x1xf32>
      %sub3A_75 = arith.subf %slice3A_73, %slice3A_74 : vector<128x1xf32>
      %slice3A_76 = vector.extract_strided_slice %get3A_53 {offsets = [0, 3], sizes = [128, 1], strides = [1, 1]} : vector<128x4xf32> to vector<128x1xf32>
      %slice3A_77 = vector.extract_strided_slice %get3A_53 {offsets = [0, 1], sizes = [128, 1], strides = [1, 1]} : vector<128x4xf32> to vector<128x1xf32>
      %sub3A_78 = arith.subf %slice3A_76, %slice3A_77 : vector<128x1xf32>
      %mul3A_79 = arith.mulf %sub3A_75, %sub3A_78 : vector<128x1xf32>
      %sub3A_80 = arith.subf %add3A_46, %sub3A_38 : vector<128x9xf32>
      %sub3A_81 = arith.subf %add3A_50, %sub3A_42 : vector<128x9xf32>
      %mul3A_82 = arith.mulf %sub3A_80, %sub3A_81 : vector<128x9xf32>
      %add3A_83 = vector.broadcast %mul3A_79 : vector<128x1xf32> to vector<128x9xf32>
      %add3A_84 = arith.addf %add3A_83, %mul3A_82 : vector<128x9xf32>
      %sub3A_85 = arith.subf %add3A_84, %mul3A_72 : vector<128x9xf32>
      %add3A_86 = arith.constant 1.000000e-16 : f32
      %add3A_87 = vector.broadcast %add3A_86 : f32 to vector<128x9xf32>
      %add3A_88 = arith.addf %sub3A_85, %add3A_87 : vector<128x9xf32>
      %div3A_89 = arith.divf %mul3A_72, %add3A_88 : vector<128x9xf32>
      %iota3A_90 = tpu.iota {dimensions = array<i32: 1>} : vector<128x9xi32>
      %reduce_max3A = arith.constant dense<0xFF800000> : vector<128xf32>
      %reduce_max3A_91 = vector.multi_reduction <maximumf>, %div3A_89, %reduce_max3A [1] : vector<128x9xf32> to vector<128xf32>
      %broadcast_in_dim3A_92 = vector.shape_cast %reduce_max3A_91 : vector<128xf32> to vector<128x1xf32>
      %eq3A_93 = vector.broadcast %broadcast_in_dim3A_92 : vector<128x1xf32> to vector<128x9xf32>
      %eq3A_94 = arith.cmpf oeq, %div3A_89, %eq3A_93 : vector<128x9xf32>
      %jit3A_95 = arith.constant 9 : i32
      %broadcast_in_dim3A_96 = vector.broadcast %jit3A_95 : i32 to vector<128x9xi32>
      %select_n3A_97 = arith.select %eq3A_94, %iota3A_90, %broadcast_in_dim3A_96 : vector<128x9xi1>, vector<128x9xi32>
      %reduce_min3A = arith.constant dense<2147483647> : vector<128xi32>
      %reduce_min3A_98 = vector.multi_reduction <minsi>, %select_n3A_97, %reduce_min3A [1] : vector<128x9xi32> to vector<128xi32>
      %broadcast_in_dim3A_99 = vector.shape_cast %reduce_min3A_98 : vector<128xi32> to vector<128x1xi32>
      %eq3A_100 = vector.broadcast %broadcast_in_dim3A_99 : vector<128x1xi32> to vector<128x9xi32>
      %eq3A_101 = arith.cmpi eq, %iota3A_90, %eq3A_100 : vector<128x9xi32>
      %get3A_102 = arith.constant 0 : index
      %get3A_103 = arith.constant 0 : index
      %get3A_104 = vector.load %arg6[%get3A_102, %get3A_103] : memref<128x9xi32, #tpu.memory_space<vmem>>, vector<128x9xi32>
      %jit3A_105 = arith.constant 0 : i32
      %broadcast_in_dim3A_106 = vector.broadcast %jit3A_105 : i32 to vector<128x9xi32>
      %select_n3A_107 = arith.select %eq3A_101, %get3A_104, %broadcast_in_dim3A_106 : vector<128x9xi1>, vector<128x9xi32>
      %reduce_sum3A_108 = arith.constant dense<0> : vector<128xi32>
      %reduce_sum3A_109 = vector.multi_reduction <add>, %select_n3A_107, %reduce_sum3A_108 [1] : vector<128x9xi32> to vector<128xi32>
      %broadcast_in_dim3A_110 = vector.shape_cast %reduce_sum3A_109 : vector<128xi32> to vector<128x1xi32>
      %swap3A_111 = arith.constant 0 : index
      %swap3A_112 = arith.constant 0 : index
      %swap3A_113 = vector.load %arg9[%swap3A_111, %swap3A_112] : memref<128x1xi32, #tpu.memory_space<vmem>>, vector<128x1xi32>
      tpu.vector_store %arg9[%swap3A_111, %swap3A_112], %broadcast_in_dim3A_110 {strides = array<i32>} : memref<128x1xi32, #tpu.memory_space<vmem>>, vector<128x1xi32>,
      %swap3A_114 = arith.constant 0 : index
      %swap3A_115 = arith.constant 0 : index
      %swap3A_116 = vector.load %arg10[%swap3A_114, %swap3A_115] : memref<128x1xi32, #tpu.memory_space<vmem>>, vector<128x1xi32>
      tpu.vector_store %arg10[%swap3A_114, %swap3A_115], %broadcast_in_dim3A_99 {strides = array<i32>} : memref<128x1xi32, #tpu.memory_space<vmem>>, vector<128x1xi32>,
    } else {
    }
    %gt3A = arith.constant 0 : i32
    %gt3A_18 = arith.cmpi sgt, %arg0, %gt3A : i32
    %convert_element_type3A_19 = arith.extui %gt3A_18 : i1 to i32
    %cond3A_20 = arith.constant 0 : i32
    %cond3A_21 = arith.cmpi ne, %convert_element_type3A_19, %cond3A_20 : i32
    scf.if %cond3A_21 {
      %get3A_22 = arith.constant 0 : index
      %get3A_23 = arith.constant 0 : index
      %get3A_24 = vector.load %arg8[%get3A_22, %get3A_23] : memref<1x1xf32, #tpu.memory_space<vmem>>, vector<1x1xf32>
      %reshape3A = vector.broadcast %reduce_sum3A_15 : f32 to vector<1x1xf32>
      %add3A_25 = arith.addf %get3A_24, %reshape3A : vector<1x1xf32>
      %swap3A = arith.constant 0 : index
      %swap3A_26 = arith.constant 0 : index
      %swap3A_27 = vector.load %arg8[%swap3A, %swap3A_26] : memref<1x1xf32, #tpu.memory_space<vmem>>, vector<1x1xf32>
      tpu.vector_store %arg8[%swap3A, %swap3A_26], %add3A_25 {strides = array<i32>} : memref<1x1xf32, #tpu.memory_space<vmem>>, vector<1x1xf32>,
    } else {
    }
    return
  }
  func.func @transform_0(%arg0: i32) -> (i32, i32, i32) {
    %c4_i32 = arith.constant 4 : i32
    %c0_i32 = arith.constant 0 : i32
    %c0_i32_0 = arith.constant 0 : i32
    return %c4_i32, %c0_i32, %arg0 : i32, i32, i32
  }
  func.func @transform_1(%arg0: i32) -> (i32, i32) {
    %c0_i32 = arith.constant 0 : i32
    %c0_i32_0 = arith.constant 0 : i32
    %c0_i32_1 = arith.constant 0 : i32
    return %c0_i32, %c0_i32_0 : i32, i32
  }
  func.func @transform_2(%arg0: i32) -> (i32, i32) {
    %c0_i32 = arith.constant 0 : i32
    %c0_i32_0 = arith.constant 0 : i32
    %c0_i32_1 = arith.constant 0 : i32
    return %c0_i32, %c0_i32_0 : i32, i32
  }
  func.func @transform_3(%arg0: i32) -> (i32, i32) {
    %c0_i32 = arith.constant 0 : i32
    %c0_i32_0 = arith.constant 0 : i32
    %c0_i32_1 = arith.constant 0 : i32
    return %c0_i32, %c0_i32_0 : i32, i32
  }
  func.func @transform_4(%arg0: i32) -> (i32, i32) {
    %c0_i32 = arith.constant 0 : i32
    %c0_i32_0 = arith.constant 0 : i32
    %c0_i32_1 = arith.constant 0 : i32
    return %c0_i32, %c0_i32_0 : i32, i32
  }
  func.func @transform_5(%arg0: i32) -> (i32, i32) {
    %c0_i32 = arith.constant 0 : i32
    %c0_i32_0 = arith.constant 0 : i32
    %c0_i32_1 = arith.constant 0 : i32
    return %c0_i32, %c0_i32_0 : i32, i32
  }
  func.func @transform_6(%arg0: i32) -> (i32, i32) {
    %c0_i32 = arith.constant 0 : i32
    %c0_i32_0 = arith.constant 0 : i32
    %c0_i32_1 = arith.constant 0 : i32
    return %c0_i32, %c0_i32_0 : i32, i32
  }
  func.func @transform_7(%arg0: i32) -> (i32, i32) {
    %c0_i32 = arith.constant 0 : i32
    %c0_i32_0 = arith.constant 0 : i32
    %c0_i32_1 = arith.constant 0 : i32
    return %c0_i32, %c0_i32_0 : i32, i32
  }
  func.func @transform_8(%arg0: i32) -> (i32, i32) {
    %c0_i32 = arith.constant 0 : i32
    %c0_i32_0 = arith.constant 0 : i32
    %c0_i32_1 = arith.constant 0 : i32
    return %c0_i32, %c0_i32_0 : i32, i32
  }
  func.func @transform_9(%arg0: i32) -> (i32, i32) {
    %c0_i32 = arith.constant 0 : i32
    %c0_i32_0 = arith.constant 0 : i32
    %c0_i32_1 = arith.constant 0 : i32
    return %c0_i32, %c0_i32_0 : i32, i32
  }
}

module attributes {stable_mosaic.version = 14 : i64} {
  func.func @_b_body(%arg0: memref<1x1xf32, #tpu.memory_space<vmem>>, %arg1: memref<128x1xi32, #tpu.memory_space<vmem>>, %arg2: memref<1x128xi32, #tpu.memory_space<vmem>>, %arg3: memref<128x1xi32, #tpu.memory_space<vmem>>, %arg4: memref<128x80xf32, #tpu.memory_space<vmem>>, %arg5: memref<128x1xf32, #tpu.memory_space<vmem>>, %arg6: memref<128x4xf32, #tpu.memory_space<vmem>>, %arg7: memref<128x4xf32, #tpu.memory_space<vmem>>, %arg8: memref<128x1xi32, #tpu.memory_space<vmem>>, %arg9: memref<1x1xf32, #tpu.memory_space<vmem>>) attributes {dimension_semantics = [], scalar_prefetch = 0 : i64, scratch_operands = 0 : i64, tpu.core_type = #tpu.core_type<tc>} {
    %get3A = arith.constant 0 : index
    %get3A_0 = arith.constant 0 : index
    %get3A_1 = vector.load %arg3[%get3A, %get3A_0] : memref<128x1xi32, #tpu.memory_space<vmem>>, vector<128x1xi32>
    %jit3A = arith.constant 3 : i32
    %div3A = vector.broadcast %jit3A : i32 to vector<128x1xi32>
    %div3A_2 = arith.divsi %get3A_1, %div3A : vector<128x1xi32>
    %sign3A = arith.constant 0 : i32
    %sign3A_3 = vector.broadcast %sign3A : i32 to vector<128x1xi32>
    %sign3A_4 = arith.cmpi sgt, %get3A_1, %sign3A_3 : vector<128x1xi32>
    %sign3A_5 = arith.extui %sign3A_4 : vector<128x1xi1> to vector<128x1xi32>
    %sign3A_6 = arith.constant 0 : i32
    %sign3A_7 = vector.broadcast %sign3A_6 : i32 to vector<128x1xi32>
    %sign3A_8 = arith.cmpi slt, %get3A_1, %sign3A_7 : vector<128x1xi32>
    %sign3A_9 = arith.extui %sign3A_8 : vector<128x1xi1> to vector<128x1xi32>
    %sign3A_10 = arith.subi %sign3A_5, %sign3A_9 : vector<128x1xi32>
    %sign3A_11 = arith.constant 0 : i32
    %sign3A_12 = arith.cmpi sgt, %jit3A, %sign3A_11 : i32
    %sign3A_13 = arith.extui %sign3A_12 : i1 to i32
    %sign3A_14 = arith.constant 0 : i32
    %sign3A_15 = arith.cmpi slt, %jit3A, %sign3A_14 : i32
    %sign3A_16 = arith.extui %sign3A_15 : i1 to i32
    %sign3A_17 = arith.subi %sign3A_13, %sign3A_16 : i32
    %ne3A = vector.broadcast %sign3A_17 : i32 to vector<128x1xi32>
    %ne3A_18 = arith.cmpi ne, %sign3A_10, %ne3A : vector<128x1xi32>
    %rem3A = vector.broadcast %jit3A : i32 to vector<128x1xi32>
    %rem3A_19 = arith.remsi %get3A_1, %rem3A : vector<128x1xi32>
    %ne3A_20 = arith.constant 0 : i32
    %ne3A_21 = vector.broadcast %ne3A_20 : i32 to vector<128x1xi32>
    %ne3A_22 = arith.cmpi ne, %rem3A_19, %ne3A_21 : vector<128x1xi32>
    %and3A = arith.andi %ne3A_18, %ne3A_22 : vector<128x1xi1>
    %sub3A = arith.constant 1 : i32
    %sub3A_23 = vector.broadcast %sub3A : i32 to vector<128x1xi32>
    %sub3A_24 = arith.subi %div3A_2, %sub3A_23 : vector<128x1xi32>
    %select_n3A = arith.select %and3A, %sub3A_24, %div3A_2 : vector<128x1xi1>, vector<128x1xi32>
    %eq3A = arith.constant 0 : i32
    %eq3A_25 = vector.broadcast %eq3A : i32 to vector<128x1xi32>
    %eq3A_26 = arith.cmpi eq, %select_n3A, %eq3A_25 : vector<128x1xi32>
    %eq3A_27 = arith.constant 1 : i32
    %eq3A_28 = vector.broadcast %eq3A_27 : i32 to vector<128x1xi32>
    %eq3A_29 = arith.cmpi eq, %select_n3A, %eq3A_28 : vector<128x1xi32>
    %jit3A_30 = arith.constant 3.800000e+01 : f32
    %jit3A_31 = arith.constant 7.600000e+01 : f32
    %broadcast_in_dim3A = vector.broadcast %jit3A_30 : f32 to vector<128x1xf32>
    %broadcast_in_dim3A_32 = vector.broadcast %jit3A_31 : f32 to vector<128x1xf32>
    %select_n3A_33 = arith.select %eq3A_29, %broadcast_in_dim3A, %broadcast_in_dim3A_32 : vector<128x1xi1>, vector<128x1xf32>
    %jit3A_34 = arith.constant 1.900000e+01 : f32
    %broadcast_in_dim3A_35 = vector.broadcast %jit3A_34 : f32 to vector<128x1xf32>
    %select_n3A_36 = arith.select %eq3A_26, %broadcast_in_dim3A_35, %select_n3A_33 : vector<128x1xi1>, vector<128x1xf32>
    %broadcast_in_dim3A_37 = arith.constant 1.160000e+02 : f32
    %broadcast_in_dim3A_38 = vector.broadcast %broadcast_in_dim3A_37 : f32 to vector<128x1xf32>
    %broadcast_in_dim3A_39 = arith.constant 9.000000e+01 : f32
    %broadcast_in_dim3A_40 = vector.broadcast %broadcast_in_dim3A_39 : f32 to vector<128x1xf32>
    %eq3A_41 = arith.constant 1 : i32
    %eq3A_42 = vector.broadcast %eq3A_41 : i32 to vector<128x1xi32>
    %eq3A_43 = arith.cmpi eq, %get3A_1, %eq3A_42 : vector<128x1xi32>
    %jit3A_44 = arith.constant 1.560000e+02 : f32
    %broadcast_in_dim3A_45 = vector.broadcast %jit3A_44 : f32 to vector<128x1xf32>
    %select_n3A_46 = arith.select %eq3A_43, %broadcast_in_dim3A_45, %broadcast_in_dim3A_38 : vector<128x1xi1>, vector<128x1xf32>
    %eq3A_47 = arith.constant 1 : i32
    %eq3A_48 = vector.broadcast %eq3A_47 : i32 to vector<128x1xi32>
    %eq3A_49 = arith.cmpi eq, %get3A_1, %eq3A_48 : vector<128x1xi32>
    %jit3A_50 = arith.constant 1.980000e+02 : f32
    %broadcast_in_dim3A_51 = vector.broadcast %jit3A_50 : f32 to vector<128x1xf32>
    %select_n3A_52 = arith.select %eq3A_49, %broadcast_in_dim3A_51, %broadcast_in_dim3A_40 : vector<128x1xi1>, vector<128x1xf32>
    %eq3A_53 = arith.constant 2 : i32
    %eq3A_54 = vector.broadcast %eq3A_53 : i32 to vector<128x1xi32>
    %eq3A_55 = arith.cmpi eq, %get3A_1, %eq3A_54 : vector<128x1xi32>
    %jit3A_56 = arith.constant 3.730000e+02 : f32
    %broadcast_in_dim3A_57 = vector.broadcast %jit3A_56 : f32 to vector<128x1xf32>
    %select_n3A_58 = arith.select %eq3A_55, %broadcast_in_dim3A_57, %select_n3A_46 : vector<128x1xi1>, vector<128x1xf32>
    %eq3A_59 = arith.constant 2 : i32
    %eq3A_60 = vector.broadcast %eq3A_59 : i32 to vector<128x1xi32>
    %eq3A_61 = arith.cmpi eq, %get3A_1, %eq3A_60 : vector<128x1xi32>
    %jit3A_62 = arith.constant 3.260000e+02 : f32
    %broadcast_in_dim3A_63 = vector.broadcast %jit3A_62 : f32 to vector<128x1xf32>
    %select_n3A_64 = arith.select %eq3A_61, %broadcast_in_dim3A_63, %select_n3A_52 : vector<128x1xi1>, vector<128x1xf32>
    %eq3A_65 = arith.constant 3 : i32
    %eq3A_66 = vector.broadcast %eq3A_65 : i32 to vector<128x1xi32>
    %eq3A_67 = arith.cmpi eq, %get3A_1, %eq3A_66 : vector<128x1xi32>
    %jit3A_68 = arith.constant 3.000000e+01 : f32
    %broadcast_in_dim3A_69 = vector.broadcast %jit3A_68 : f32 to vector<128x1xf32>
    %select_n3A_70 = arith.select %eq3A_67, %broadcast_in_dim3A_69, %select_n3A_58 : vector<128x1xi1>, vector<128x1xf32>
    %eq3A_71 = arith.constant 3 : i32
    %eq3A_72 = vector.broadcast %eq3A_71 : i32 to vector<128x1xi32>
    %eq3A_73 = arith.cmpi eq, %get3A_1, %eq3A_72 : vector<128x1xi32>
    %jit3A_74 = arith.constant 6.100000e+01 : f32
    %broadcast_in_dim3A_75 = vector.broadcast %jit3A_74 : f32 to vector<128x1xf32>
    %select_n3A_76 = arith.select %eq3A_73, %broadcast_in_dim3A_75, %select_n3A_64 : vector<128x1xi1>, vector<128x1xf32>
    %eq3A_77 = arith.constant 4 : i32
    %eq3A_78 = vector.broadcast %eq3A_77 : i32 to vector<128x1xi32>
    %eq3A_79 = arith.cmpi eq, %get3A_1, %eq3A_78 : vector<128x1xi32>
    %jit3A_80 = arith.constant 6.200000e+01 : f32
    %broadcast_in_dim3A_81 = vector.broadcast %jit3A_80 : f32 to vector<128x1xf32>
    %select_n3A_82 = arith.select %eq3A_79, %broadcast_in_dim3A_81, %select_n3A_70 : vector<128x1xi1>, vector<128x1xf32>
    %eq3A_83 = arith.constant 4 : i32
    %eq3A_84 = vector.broadcast %eq3A_83 : i32 to vector<128x1xi32>
    %eq3A_85 = arith.cmpi eq, %get3A_1, %eq3A_84 : vector<128x1xi32>
    %jit3A_86 = arith.constant 4.500000e+01 : f32
    %broadcast_in_dim3A_87 = vector.broadcast %jit3A_86 : f32 to vector<128x1xf32>
    %select_n3A_88 = arith.select %eq3A_85, %broadcast_in_dim3A_87, %select_n3A_76 : vector<128x1xi1>, vector<128x1xf32>
    %eq3A_89 = arith.constant 5 : i32
    %eq3A_90 = vector.broadcast %eq3A_89 : i32 to vector<128x1xi32>
    %eq3A_91 = arith.cmpi eq, %get3A_1, %eq3A_90 : vector<128x1xi32>
    %jit3A_92 = arith.constant 5.900000e+01 : f32
    %broadcast_in_dim3A_93 = vector.broadcast %jit3A_92 : f32 to vector<128x1xf32>
    %select_n3A_94 = arith.select %eq3A_91, %broadcast_in_dim3A_93, %select_n3A_82 : vector<128x1xi1>, vector<128x1xf32>
    %eq3A_95 = arith.constant 5 : i32
    %eq3A_96 = vector.broadcast %eq3A_95 : i32 to vector<128x1xi32>
    %eq3A_97 = arith.cmpi eq, %get3A_1, %eq3A_96 : vector<128x1xi32>
    %jit3A_98 = arith.constant 1.190000e+02 : f32
    %broadcast_in_dim3A_99 = vector.broadcast %jit3A_98 : f32 to vector<128x1xf32>
    %select_n3A_100 = arith.select %eq3A_97, %broadcast_in_dim3A_99, %select_n3A_88 : vector<128x1xi1>, vector<128x1xf32>
    %eq3A_101 = arith.constant 6 : i32
    %eq3A_102 = vector.broadcast %eq3A_101 : i32 to vector<128x1xi32>
    %eq3A_103 = arith.cmpi eq, %get3A_1, %eq3A_102 : vector<128x1xi32>
    %jit3A_104 = arith.constant 1.000000e+01 : f32
    %broadcast_in_dim3A_105 = vector.broadcast %jit3A_104 : f32 to vector<128x1xf32>
    %select_n3A_106 = arith.select %eq3A_103, %broadcast_in_dim3A_105, %select_n3A_94 : vector<128x1xi1>, vector<128x1xf32>
    %eq3A_107 = arith.constant 6 : i32
    %eq3A_108 = vector.broadcast %eq3A_107 : i32 to vector<128x1xi32>
    %eq3A_109 = arith.cmpi eq, %get3A_1, %eq3A_108 : vector<128x1xi32>
    %jit3A_110 = arith.constant 1.300000e+01 : f32
    %broadcast_in_dim3A_111 = vector.broadcast %jit3A_110 : f32 to vector<128x1xf32>
    %select_n3A_112 = arith.select %eq3A_109, %broadcast_in_dim3A_111, %select_n3A_100 : vector<128x1xi1>, vector<128x1xf32>
    %eq3A_113 = arith.constant 7 : i32
    %eq3A_114 = vector.broadcast %eq3A_113 : i32 to vector<128x1xi32>
    %eq3A_115 = arith.cmpi eq, %get3A_1, %eq3A_114 : vector<128x1xi32>
    %jit3A_116 = arith.constant 1.600000e+01 : f32
    %broadcast_in_dim3A_117 = vector.broadcast %jit3A_116 : f32 to vector<128x1xf32>
    %select_n3A_118 = arith.select %eq3A_115, %broadcast_in_dim3A_117, %select_n3A_106 : vector<128x1xi1>, vector<128x1xf32>
    %eq3A_119 = arith.constant 7 : i32
    %eq3A_120 = vector.broadcast %eq3A_119 : i32 to vector<128x1xi32>
    %eq3A_121 = arith.cmpi eq, %get3A_1, %eq3A_120 : vector<128x1xi32>
    %jit3A_122 = arith.constant 3.000000e+01 : f32
    %broadcast_in_dim3A_123 = vector.broadcast %jit3A_122 : f32 to vector<128x1xf32>
    %select_n3A_124 = arith.select %eq3A_121, %broadcast_in_dim3A_123, %select_n3A_112 : vector<128x1xi1>, vector<128x1xf32>
    %eq3A_125 = arith.constant 8 : i32
    %eq3A_126 = vector.broadcast %eq3A_125 : i32 to vector<128x1xi32>
    %eq3A_127 = arith.cmpi eq, %get3A_1, %eq3A_126 : vector<128x1xi32>
    %jit3A_128 = arith.constant 3.300000e+01 : f32
    %broadcast_in_dim3A_129 = vector.broadcast %jit3A_128 : f32 to vector<128x1xf32>
    %select_n3A_130 = arith.select %eq3A_127, %broadcast_in_dim3A_129, %select_n3A_118 : vector<128x1xi1>, vector<128x1xf32>
    %eq3A_131 = arith.constant 8 : i32
    %eq3A_132 = vector.broadcast %eq3A_131 : i32 to vector<128x1xi32>
    %eq3A_133 = arith.cmpi eq, %get3A_1, %eq3A_132 : vector<128x1xi32>
    %jit3A_134 = arith.constant 2.300000e+01 : f32
    %broadcast_in_dim3A_135 = vector.broadcast %jit3A_134 : f32 to vector<128x1xf32>
    %select_n3A_136 = arith.select %eq3A_133, %broadcast_in_dim3A_135, %select_n3A_124 : vector<128x1xi1>, vector<128x1xf32>
    %get3A_137 = arith.constant 0 : index
    %get3A_138 = arith.constant 0 : index
    %get3A_139 = vector.load %arg7[%get3A_137, %get3A_138] : memref<128x4xf32, #tpu.memory_space<vmem>>, vector<128x4xf32>
    %slice3A = vector.extract_strided_slice %get3A_139 {offsets = [0, 0], sizes = [128, 1], strides = [1, 1]} : vector<128x4xf32> to vector<128x1xf32>
    %slice3A_140 = vector.extract_strided_slice %get3A_139 {offsets = [0, 1], sizes = [128, 1], strides = [1, 1]} : vector<128x4xf32> to vector<128x1xf32>
    %slice3A_141 = vector.extract_strided_slice %get3A_139 {offsets = [0, 2], sizes = [128, 1], strides = [1, 1]} : vector<128x4xf32> to vector<128x1xf32>
    %slice3A_142 = vector.extract_strided_slice %get3A_139 {offsets = [0, 3], sizes = [128, 1], strides = [1, 1]} : vector<128x4xf32> to vector<128x1xf32>
    %mul3A = arith.mulf %slice3A, %select_n3A_36 : vector<128x1xf32>
    %mul3A_143 = arith.mulf %slice3A_140, %select_n3A_36 : vector<128x1xf32>
    %floor3A = math.floor %mul3A : vector<128x1xf32>
    %sub3A_144 = arith.subf %mul3A, %floor3A : vector<128x1xf32>
    %add3A = arith.constant 9.99999974E-6 : f32
    %add3A_145 = vector.broadcast %add3A : f32 to vector<128x1xf32>
    %add3A_146 = arith.addf %sub3A_144, %add3A_145 : vector<128x1xf32>
    %floor3A_147 = math.floor %mul3A_143 : vector<128x1xf32>
    %sub3A_148 = arith.subf %mul3A_143, %floor3A_147 : vector<128x1xf32>
    %add3A_149 = arith.constant 9.99999974E-6 : f32
    %add3A_150 = vector.broadcast %add3A_149 : f32 to vector<128x1xf32>
    %add3A_151 = arith.addf %sub3A_148, %add3A_150 : vector<128x1xf32>
    %sub3A_152 = arith.constant 1.000000e+00 : f32
    %sub3A_153 = vector.broadcast %sub3A_152 : f32 to vector<128x1xf32>
    %sub3A_154 = arith.subf %sub3A_153, %add3A_146 : vector<128x1xf32>
    %div3A_155 = arith.divf %add3A_146, %sub3A_154 : vector<128x1xf32>
    %log3A = math.log %div3A_155 : vector<128x1xf32>
    %sub3A_156 = arith.constant 1.000000e+00 : f32
    %sub3A_157 = vector.broadcast %sub3A_156 : f32 to vector<128x1xf32>
    %sub3A_158 = arith.subf %sub3A_157, %add3A_151 : vector<128x1xf32>
    %div3A_159 = arith.divf %add3A_151, %sub3A_158 : vector<128x1xf32>
    %log3A_160 = math.log %div3A_159 : vector<128x1xf32>
    %mul3A_161 = arith.constant 6.080000e+02 : f32
    %mul3A_162 = vector.broadcast %mul3A_161 : f32 to vector<128x1xf32>
    %mul3A_163 = arith.mulf %slice3A_141, %mul3A_162 : vector<128x1xf32>
    %div3A_164 = arith.divf %mul3A_163, %select_n3A_130 : vector<128x1xf32>
    %log3A_165 = math.log %div3A_164 : vector<128x1xf32>
    %mul3A_166 = arith.constant 6.080000e+02 : f32
    %mul3A_167 = vector.broadcast %mul3A_166 : f32 to vector<128x1xf32>
    %mul3A_168 = arith.mulf %slice3A_142, %mul3A_167 : vector<128x1xf32>
    %div3A_169 = arith.divf %mul3A_168, %select_n3A_136 : vector<128x1xf32>
    %log3A_170 = math.log %div3A_169 : vector<128x1xf32>
    %get3A_171 = arith.constant 0 : index
    %get3A_172 = arith.constant 0 : index
    %get3A_173 = vector.load %arg6[%get3A_171, %get3A_172] : memref<128x4xf32, #tpu.memory_space<vmem>>, vector<128x4xf32>
    %slice3A_174 = vector.extract_strided_slice %get3A_173 {offsets = [0, 0], sizes = [128, 1], strides = [1, 1]} : vector<128x4xf32> to vector<128x1xf32>
    %sub3A_175 = arith.subf %slice3A_174, %log3A : vector<128x1xf32>
    %integer_pow3A = arith.mulf %sub3A_175, %sub3A_175 : vector<128x1xf32>
    %slice3A_176 = vector.extract_strided_slice %get3A_173 {offsets = [0, 1], sizes = [128, 1], strides = [1, 1]} : vector<128x4xf32> to vector<128x1xf32>
    %sub3A_177 = arith.subf %slice3A_176, %log3A_160 : vector<128x1xf32>
    %integer_pow3A_178 = arith.mulf %sub3A_177, %sub3A_177 : vector<128x1xf32>
    %add3A_179 = arith.addf %integer_pow3A, %integer_pow3A_178 : vector<128x1xf32>
    %slice3A_180 = vector.extract_strided_slice %get3A_173 {offsets = [0, 2], sizes = [128, 1], strides = [1, 1]} : vector<128x4xf32> to vector<128x1xf32>
    %sub3A_181 = arith.subf %slice3A_180, %log3A_165 : vector<128x1xf32>
    %integer_pow3A_182 = arith.mulf %sub3A_181, %sub3A_181 : vector<128x1xf32>
    %add3A_183 = arith.addf %add3A_179, %integer_pow3A_182 : vector<128x1xf32>
    %slice3A_184 = vector.extract_strided_slice %get3A_173 {offsets = [0, 3], sizes = [128, 1], strides = [1, 1]} : vector<128x4xf32> to vector<128x1xf32>
    %sub3A_185 = arith.subf %slice3A_184, %log3A_170 : vector<128x1xf32>
    %integer_pow3A_186 = arith.mulf %sub3A_185, %sub3A_185 : vector<128x1xf32>
    %add3A_187 = arith.addf %add3A_183, %integer_pow3A_186 : vector<128x1xf32>
    %reduce_sum3A = vector.shape_cast %add3A_187 : vector<128x1xf32> to vector<1x128x1xf32>
    %reduce_sum3A_188 = arith.constant dense<0.000000e+00> : vector<1xf32>
    %reduce_sum3A_189 = vector.multi_reduction <add>, %reduce_sum3A, %reduce_sum3A_188 [1, 2] : vector<1x128x1xf32> to vector<1xf32>
    %reduce_sum3A_190 = vector.shape_cast %reduce_sum3A_189 : vector<1xf32> to vector<1x1x1xf32>
    %reduce_sum3A_191 = vector.extract %reduce_sum3A_190[0, 0, 0] : f32 from vector<1x1x1xf32>
    %mul3A_192 = arith.constant 1.000000e+00 : f32
    %mul3A_193 = arith.mulf %mul3A_192, %reduce_sum3A_191 : f32
    %iota3A = tpu.iota {dimensions = array<i32: 1>} : vector<128x80xi32>
    %get3A_194 = arith.constant 0 : index
    %get3A_195 = arith.constant 0 : index
    %get3A_196 = vector.load %arg8[%get3A_194, %get3A_195] : memref<128x1xi32, #tpu.memory_space<vmem>>, vector<128x1xi32>
    %eq3A_197 = vector.broadcast %get3A_196 : vector<128x1xi32> to vector<128x80xi32>
    %eq3A_198 = arith.cmpi eq, %iota3A, %eq3A_197 : vector<128x80xi32>
    %jit3A_199 = arith.constant 1.000000e+00 : f32
    %jit3A_200 = arith.constant 0.000000e+00 : f32
    %broadcast_in_dim3A_201 = vector.broadcast %jit3A_199 : f32 to vector<128x80xf32>
    %broadcast_in_dim3A_202 = vector.broadcast %jit3A_200 : f32 to vector<128x80xf32>
    %select_n3A_203 = arith.select %eq3A_198, %broadcast_in_dim3A_201, %broadcast_in_dim3A_202 : vector<128x80xi1>, vector<128x80xf32>
    %get3A_204 = arith.constant 0 : index
    %get3A_205 = arith.constant 0 : index
    %get3A_206 = vector.load %arg4[%get3A_204, %get3A_205] : memref<128x80xf32, #tpu.memory_space<vmem>>, vector<128x80xf32>
    %log3A_207 = math.log %get3A_206 : vector<128x80xf32>
    %max3A = arith.constant -1.000000e+02 : f32
    %max3A_208 = vector.broadcast %max3A : f32 to vector<128x80xf32>
    %max3A_209 = arith.maximumf %log3A_207, %max3A_208 : vector<128x80xf32>
    %mul3A_210 = arith.mulf %max3A_209, %select_n3A_203 : vector<128x80xf32>
    %sub3A_211 = arith.constant 1.000000e+00 : f32
    %sub3A_212 = vector.broadcast %sub3A_211 : f32 to vector<128x80xf32>
    %sub3A_213 = arith.subf %sub3A_212, %get3A_206 : vector<128x80xf32>
    %log3A_214 = math.log %sub3A_213 : vector<128x80xf32>
    %max3A_215 = arith.constant -1.000000e+02 : f32
    %max3A_216 = vector.broadcast %max3A_215 : f32 to vector<128x80xf32>
    %max3A_217 = arith.maximumf %log3A_214, %max3A_216 : vector<128x80xf32>
    %sub3A_218 = arith.constant 1.000000e+00 : f32
    %sub3A_219 = vector.broadcast %sub3A_218 : f32 to vector<128x80xf32>
    %sub3A_220 = arith.subf %sub3A_219, %select_n3A_203 : vector<128x80xf32>
    %mul3A_221 = arith.mulf %max3A_217, %sub3A_220 : vector<128x80xf32>
    %add3A_222 = arith.addf %mul3A_210, %mul3A_221 : vector<128x80xf32>
    %reduce_sum3A_223 = vector.shape_cast %add3A_222 : vector<128x80xf32> to vector<1x128x80xf32>
    %reduce_sum3A_224 = arith.constant dense<0.000000e+00> : vector<1xf32>
    %reduce_sum3A_225 = vector.multi_reduction <add>, %reduce_sum3A_223, %reduce_sum3A_224 [1, 2] : vector<1x128x80xf32> to vector<1xf32>
    %reduce_sum3A_226 = vector.shape_cast %reduce_sum3A_225 : vector<1xf32> to vector<1x1x1xf32>
    %reduce_sum3A_227 = vector.extract %reduce_sum3A_226[0, 0, 0] : f32 from vector<1x1x1xf32>
    %neg3A = arith.constant 0.000000e+00 : f32
    %neg3A_228 = arith.subf %neg3A, %reduce_sum3A_227 : f32
    %get3A_229 = arith.constant 0 : index
    %get3A_230 = arith.constant 0 : index
    %get3A_231 = vector.load %arg1[%get3A_229, %get3A_230] : memref<128x1xi32, #tpu.memory_space<vmem>>, vector<128x1xi32>
    %get3A_232 = arith.constant 0 : index
    %get3A_233 = arith.constant 0 : index
    %get3A_234 = vector.load %arg2[%get3A_232, %get3A_233] : memref<1x128xi32, #tpu.memory_space<vmem>>, vector<1x128xi32>
    %eq3A_235 = vector.broadcast %get3A_231 : vector<128x1xi32> to vector<128x128xi32>
    %eq3A_236 = vector.broadcast %get3A_234 : vector<1x128xi32> to vector<128x128xi32>
    %eq3A_237 = arith.cmpi eq, %eq3A_235, %eq3A_236 : vector<128x128xi32>
    %iota3A_238 = tpu.iota {dimensions = array<i32: 1>} : vector<128x128xi32>
    %iota3A_239 = tpu.iota {dimensions = array<i32: 0>} : vector<128x128xi32>
    %lt3A = arith.cmpi slt, %iota3A_238, %iota3A_239 : vector<128x128xi32>
    %and3A_240 = arith.andi %eq3A_237, %lt3A : vector<128x128xi1>
    %jit3A_241 = arith.constant 1.000000e+00 : f32
    %jit3A_242 = arith.constant 0.000000e+00 : f32
    %broadcast_in_dim3A_243 = vector.broadcast %jit3A_241 : f32 to vector<128x128xf32>
    %broadcast_in_dim3A_244 = vector.broadcast %jit3A_242 : f32 to vector<128x128xf32>
    %select_n3A_245 = arith.select %and3A_240, %broadcast_in_dim3A_243, %broadcast_in_dim3A_244 : vector<128x128xi1>, vector<128x128xf32>
    %reduce_sum3A_246 = arith.constant dense<0.000000e+00> : vector<128xf32>
    %reduce_sum3A_247 = vector.multi_reduction <add>, %select_n3A_245, %reduce_sum3A_246 [1] : vector<128x128xf32> to vector<128xf32>
    %broadcast_in_dim3A_248 = vector.shape_cast %reduce_sum3A_247 : vector<128xf32> to vector<128x1xf32>
    %gt3A = arith.constant 0.000000e+00 : f32
    %gt3A_249 = vector.broadcast %gt3A : f32 to vector<128x1xf32>
    %gt3A_250 = arith.cmpf ogt, %broadcast_in_dim3A_248, %gt3A_249 : vector<128x1xf32>
    %jit3A_251 = arith.constant 0.000000e+00 : f32
    %jit3A_252 = arith.constant 1.000000e+00 : f32
    %broadcast_in_dim3A_253 = vector.broadcast %jit3A_251 : f32 to vector<128x1xf32>
    %broadcast_in_dim3A_254 = vector.broadcast %jit3A_252 : f32 to vector<128x1xf32>
    %select_n3A_255 = arith.select %gt3A_250, %broadcast_in_dim3A_253, %broadcast_in_dim3A_254 : vector<128x1xi1>, vector<128x1xf32>
    %get3A_256 = arith.constant 0 : index
    %get3A_257 = arith.constant 0 : index
    %get3A_258 = vector.load %arg5[%get3A_256, %get3A_257] : memref<128x1xf32, #tpu.memory_space<vmem>>, vector<128x1xf32>
    %log3A_259 = math.log %get3A_258 : vector<128x1xf32>
    %max3A_260 = arith.constant -1.000000e+02 : f32
    %max3A_261 = vector.broadcast %max3A_260 : f32 to vector<128x1xf32>
    %max3A_262 = arith.maximumf %log3A_259, %max3A_261 : vector<128x1xf32>
    %sub3A_263 = arith.constant 1.000000e+00 : f32
    %sub3A_264 = vector.broadcast %sub3A_263 : f32 to vector<128x1xf32>
    %sub3A_265 = arith.subf %sub3A_264, %get3A_258 : vector<128x1xf32>
    %log3A_266 = math.log %sub3A_265 : vector<128x1xf32>
    %max3A_267 = arith.constant -1.000000e+02 : f32
    %max3A_268 = vector.broadcast %max3A_267 : f32 to vector<128x1xf32>
    %max3A_269 = arith.maximumf %log3A_266, %max3A_268 : vector<128x1xf32>
    %get3A_270 = arith.constant 0 : index
    %get3A_271 = arith.constant 0 : index
    %get3A_272 = vector.load %arg0[%get3A_270, %get3A_271] : memref<1x1xf32, #tpu.memory_space<vmem>>, vector<1x1xf32>
    %reduce_sum3A_273 = vector.shape_cast %get3A_272 : vector<1x1xf32> to vector<1x1x1xf32>
    %reduce_sum3A_274 = arith.constant dense<0.000000e+00> : vector<1xf32>
    %reduce_sum3A_275 = vector.multi_reduction <add>, %reduce_sum3A_273, %reduce_sum3A_274 [1, 2] : vector<1x1x1xf32> to vector<1xf32>
    %reduce_sum3A_276 = vector.shape_cast %reduce_sum3A_275 : vector<1xf32> to vector<1x1x1xf32>
    %reduce_sum3A_277 = vector.extract %reduce_sum3A_276[0, 0, 0] : f32 from vector<1x1x1xf32>
    %mul3A_278 = arith.mulf %max3A_262, %select_n3A_255 : vector<128x1xf32>
    %reduce_sum3A_279 = vector.shape_cast %mul3A_278 : vector<128x1xf32> to vector<1x128x1xf32>
    %reduce_sum3A_280 = arith.constant dense<0.000000e+00> : vector<1xf32>
    %reduce_sum3A_281 = vector.multi_reduction <add>, %reduce_sum3A_279, %reduce_sum3A_280 [1, 2] : vector<1x128x1xf32> to vector<1xf32>
    %reduce_sum3A_282 = vector.shape_cast %reduce_sum3A_281 : vector<1xf32> to vector<1x1x1xf32>
    %reduce_sum3A_283 = vector.extract %reduce_sum3A_282[0, 0, 0] : f32 from vector<1x1x1xf32>
    %neg3A_284 = arith.constant 0.000000e+00 : f32
    %neg3A_285 = arith.subf %neg3A_284, %reduce_sum3A_283 : f32
    %mul3A_286 = arith.constant 5.000000e+00 : f32
    %mul3A_287 = arith.mulf %mul3A_286, %neg3A_285 : f32
    %mul3A_288 = arith.mulf %max3A_269, %select_n3A_255 : vector<128x1xf32>
    %reduce_sum3A_289 = vector.shape_cast %mul3A_288 : vector<128x1xf32> to vector<1x128x1xf32>
    %reduce_sum3A_290 = arith.constant dense<0.000000e+00> : vector<1xf32>
    %reduce_sum3A_291 = vector.multi_reduction <add>, %reduce_sum3A_289, %reduce_sum3A_290 [1, 2] : vector<1x128x1xf32> to vector<1xf32>
    %reduce_sum3A_292 = vector.shape_cast %reduce_sum3A_291 : vector<1xf32> to vector<1x1x1xf32>
    %reduce_sum3A_293 = vector.extract %reduce_sum3A_292[0, 0, 0] : f32 from vector<1x1x1xf32>
    %sub3A_294 = arith.subf %reduce_sum3A_277, %reduce_sum3A_293 : f32
    %neg3A_295 = arith.constant 0.000000e+00 : f32
    %neg3A_296 = arith.subf %neg3A_295, %sub3A_294 : f32
    %mul3A_297 = arith.constant 5.000000e-01 : f32
    %mul3A_298 = arith.mulf %mul3A_297, %neg3A_296 : f32
    %add3A_299 = arith.addf %mul3A_287, %mul3A_298 : f32
    %add3A_300 = arith.addf %mul3A_193, %add3A_299 : f32
    %add3A_301 = arith.addf %add3A_300, %neg3A_228 : f32
    %reshape3A = vector.broadcast %add3A_301 : f32 to vector<1x1xf32>
    %swap3A = arith.constant 0 : index
    %swap3A_302 = arith.constant 0 : index
    %swap3A_303 = vector.load %arg9[%swap3A, %swap3A_302] : memref<1x1xf32, #tpu.memory_space<vmem>>, vector<1x1xf32>
    tpu.vector_store %arg9[%swap3A, %swap3A_302], %reshape3A {strides = array<i32>} : memref<1x1xf32, #tpu.memory_space<vmem>>, vector<1x1xf32>,
    return
  }
}

</mosaic_0001>

<sc_bundles>
// kernel: gather_offload_async_start.1
scs
__scs_entry_jumppad:
0x0: {  	(pc) =	sbr.rel $0x88, $3  }
0x1: {  	(tag) =	ssettag $0x0;
	lr =	simm.s32 $0x1  }
0x2: {  	[smem:$0x3F9D] =	sst lr;
	_ =	strace $0xD0000000  }
0x3: {  	_ = 	snop  }
0x4: {  	_ = 	snop  }
0x5: {  	_ = 	snop  }
0x6: {  	_ = 	snop  }
0x7: {  	_ = 	snop  }
__scs_overlays_trampoline_lowered:
0x8: {  	[smem:$0x3FAC] =	sst s0  }
0x9: {  	[smem:$0x3FAD] =	sst s1  }
0xa: {  	[smem:$0x3FAE] =	sst s2  }
0xb: {  	[smem:$0x3FAF] =	sst s3  }
0xc: {  	[smem:$0x3FB0] =	sst s4  }
0xd: {  	[smem:$0x3FB1] =	sst s5  }
0xe: {  	[smem:$0x3FB2] =	sst s6  }
0xf: {  	[smem:$0x3FB3] =	sst s7  }
0x10: {  	[smem:$0x3FB4] =	sst s8  }
0x11: {  	[smem:$0x3FB5] =	sst s9;
	s0 =	simm.s32 @!p0 $0x0  }
0x12: {  	s1 =	sld [smem:$0x3F9B];
	s0 =	simm.s32 @p0 $0x1  }
0x13: {  	[smem:$0x3FB6] =	sst s0;
	s0 =	simm.s32 @!p1 $0x0  }
0x14: {  	s2 =	sld [smem:$0x3F9A];
	s0 =	simm.s32 @p1 $0x1  }
0x15: {  	[smem:$0x3FB7] =	sst s0;
	s0 =	simm.s32 @!p2 $0x0  }
0x16: {  	s3 =	sld [smem:$0x3FDB];
	s0 =	simm.s32 @p2 $0x1  }
0x17: {  	s4 =	simm.s32 $0x1BF5;
	[smem:$0x3FB9] =	sst s0  }
0x18: {  	s0 =	sld [smem:$0x3F9C];
	_ =	swait.ge [sflag:s4], $0x0  }
0x19: {  	s7 =	sld [smem:$0x3F9D]  }
0x1a: {  	s8 =	sadd.s32 $0xFFFFE003, lr  }
0x1b: {  	s9 =	sadd.s32 $0xFFFFFEF7, lr;
	s5 =	simm.s32 $0xFFFFFFFF;
	p2 =	slt.u32 s8, $0xFFFFF086  }
0x1c: {  	p1 =	slt.u32 s9, $0xF7A;
	s5 =	simm.s32 @!p2 $0x0  }
0x1d: {  	s5 =	simm.s32 @p1 $0x1;
	p0 =	seq.s32 s7, s2  }
0x1e: {  	s7 =	smul.u32 @!p0 $0xF7A, s2;
	p2 =	seq.s32 @!p0 s5, $0x0  }
0x1f: {  	s9 =	smul.u32 $0xF7A, s1;
	s8 =	simm.s32 @!p0 $0x1BF5;
	p2 =	por !p2, p0  }
0x20: {  	[sflag:s8] =	ssyncset.s32 @!p0 $0xFFFFF086;
	s6 =	sadd.s32 @!p0 s3, s7;
	s7 =	simm.s32 @!p0 $0x108  }
0x21: {  	s3 =	sadd.s32 s3, s9;
	s6 =	sadd.s32 @!p0 $0x88, s6;
	s7 =	simm.s32 @p2 $0x1082  }
0x22: {  	[simem:s7], [sflag:s8] =	dma.local @!p0 [hbm:s6], $0xF7A  }
0x23: {  	s9 =	sor.u32 $0xD0000000, s2;
	s6 =	simm.s32 $0x108;
	_ =	swait.ge @!p0 [sflag:s8], $0x0  }
0x24: {  	s3 =	sadd.s32 $0x88, s3;
	s6 =	simm.s32 @!p1 $0x1082;
	[sflag:s4] =	ssyncset.s32 $0xFFFFF086  }
0x25: {  	[simem:s6], [sflag:s4] =	dma.local [hbm:s3], $0xF7A  }
0x26: {  	[smem:$0x3F9D] =	sst s1;
	(tag) =	ssettag s2;
	_ =	strace s9  }
0x27: {  	s1 =	sld [smem:$0x3FAD]  }
0x28: {  	s2 =	sld [smem:$0x3FAE]  }
0x29: {  	s4 =	sld [smem:$0x3FB0]  }
0x2a: {  	p0 =	seq.s32 s5, $0x0;
	s5 =	sld [smem:$0x3FB1]  }
0x2b: {  	s6 =	sld [smem:$0x3FB2]  }
0x2c: {  	s7 =	sld [smem:$0x3FB3]  }
0x2d: {  	s3 =	simm.s32 $0x108;
	s8 =	sld [smem:$0x3FB4]  }
0x2e: {  	s3 =	simm.s32 @!p0 $0x1082;
	s9 =	sld [smem:$0x3FB5]  }
0x2f: {  	lr =	sadd.s32 s0, s3;
	s0 =	sld [smem:$0x3FAC]  }
0x30: {  	s3 =	sld [smem:$0x3FAF]  }
0x31: {  	[smem:$0x3FB8] =	sst s10  }
0x32: {  	s10 =	sld [smem:$0x3FB6];
	_ =	sdelay $0x3  }
0x33: {  	p0 =	seq.s32 s10, $0x1;
	s10 =	sld [smem:$0x3FB8];
	_ =	sdelay $0x3  }
0x34: {  	[smem:$0x3FB8] =	sst s10  }
0x35: {  	s10 =	sld [smem:$0x3FB7];
	_ =	sdelay $0x3  }
0x36: {  	p1 =	seq.s32 s10, $0x1;
	s10 =	sld [smem:$0x3FB8];
	_ =	sdelay $0x3  }
0x37: {  	[smem:$0x3FB8] =	sst s10  }
0x38: {  	s10 =	sld [smem:$0x3FB9]  }
0x39: {  	_ = 	snop;
	(pc) =	sbr.ind lr, $3  }
0x3a: {  	_ = 	snop  }
0x3b: {  	_ = 	snop  }
0x3c: {  	p2 =	seq.s32 s10, $0x1;
	s10 =	sld [smem:$0x3FB8]  }
0x3d: {  	_ =	shalt  }
0x3e: {  	_ =	shalt  }
0x3f: {  	_ =	shalt  }
0x40: {  	_ =	shalt  }
0x41: {  	_ =	shalt  }
0x42: {  	_ =	shalt  }
0x43: {  	_ =	shalt  }
0x44: {  	_ =	shalt  }
0x45: {  	_ =	shalt  }
0x46: {  	_ =	shalt  }
0x47: {  	_ =	shalt  }
0x48: {  	_ =	shalt  }
0x49: {  	_ =	shalt  }
0x4a: {  	_ =	shalt  }
0x4b: {  	_ =	shalt  }
0x4c: {  	_ =	shalt  }
0x4d: {  	_ =	shalt  }
0x4e: {  	_ =	shalt  }
0x4f: {  	_ =	shalt  }
0x50: {  	_ =	shalt  }
0x51: {  	_ =	shalt  }
0x52: {  	_ =	shalt  }
0x53: {  	_ =	shalt  }
0x54: {  	_ =	shalt  }
0x55: {  	_ =	shalt  }
0x56: {  	_ =	shalt  }
0x57: {  	_ =	shalt  }
0x58: {  	_ =	shalt  }
0x59: {  	_ =	shalt  }
0x5a: {  	_ =	shalt  }
0x5b: {  	_ =	shalt  }
0x5c: {  	_ =	shalt  }
0x5d: {  	_ =	shalt  }
0x5e: {  	_ =	shalt  }
0x5f: {  	_ =	shalt  }
0x60: {  	_ =	shalt  }
0x61: {  	_ =	shalt  }
0x62: {  	_ =	shalt  }
0x63: {  	_ =	shalt  }
0x64: {  	_ =	shalt  }
0x65: {  	_ =	shalt  }
0x66: {  	_ =	shalt  }
0x67: {  	_ =	shalt  }
0x68: {  	_ =	shalt  }
0x69: {  	_ =	shalt  }
0x6a: {  	_ =	shalt  }
0x6b: {  	_ =	shalt  }
0x6c: {  	_ =	shalt  }
0x6d: {  	_ =	shalt  }
0x6e: {  	_ =	shalt  }
0x6f: {  	_ =	shalt  }
0x70: {  	_ =	shalt  }
0x71: {  	_ =	shalt  }
0x72: {  	_ =	shalt  }
0x73: {  	_ =	shalt  }
0x74: {  	_ =	shalt  }
0x75: {  	_ =	shalt  }
0x76: {  	_ =	shalt  }
0x77: {  	_ =	shalt  }
0x78: {  	_ =	shalt  }
0x79: {  	_ =	shalt  }
0x7a: {  	_ =	shalt  }
0x7b: {  	_ =	shalt  }
0x7c: {  	_ =	shalt  }
0x7d: {  	_ =	shalt  }
0x7e: {  	_ =	shalt  }
0x7f: {  	_ =	shalt  }
0x80: {  	_ =	shalt  }
0x81: {  	_ =	shalt  }
0x82: {  	_ =	shalt  }
0x83: {  	_ =	shalt  }
0x84: {  	_ =	shalt  }
0x85: {  	_ =	shalt  }
0x86: {  	_ =	shalt  }
0x87: {  	_ =	shalt  }
.Lfunc_end0:
.L_simem_size_0:
called_computation.1_lowered:
.L_overlay_start_0:
0x88: {  	s2 =	sld [smem:$0x3FD9]  }
0x89: {  	s3 =	sld [smem:$0x3FFE];
	_ =	sdelay $0x1  }
0x8a: {  	s1 =	srdreg.scid  }
0x8b: {  	s0 =	sand.u32 $0x1, s1  }
0x8c: {  	s17 =	sshll.u32 s0, $0xA;
	s2 =	sadd.s32 s3, s2  }
0x8d: {  	s2 =	sadd.s32 s2, s17  }
0x8e: {  	[smem:$0x3FC4] =	sst s2  }
0x8f: {  	_ = 	snop  }
0x90: {  	s2 =	sld [smem:$0x3FC9];
	(tm) =	ssettm $0x1  }
0x91: {  	s18 =	sld [smem:$0x3FFB];
	_ =	sdelay $0x3  }
0x92: {  	_ =	strace s18  }
0x93: {  	s3 =	sld [smem:$0x3FFC];
	_ =	sdelay $0x3  }
0x94: {  	_ =	strace s3  }
0x95: {  	s3 =	sld [smem:$0x3FFD];
	_ =	sdelay $0x3  }
0x96: {  	_ =	strace s3  }
0x97: {  	_ =	strace $0x8FFFFFFF  }
0x98: {  	s19 =	sld [smem:$0x3FDB];
	_ =	sdelay $0x1  }
0x99: {  	s4 =	simm.s32 $_scs_section_size  }
0x9a: {  	s5 =	simm.s32 $_size__tile_overlayer_lowered;
	s6 =	simm.s32 $_tile_overlayer_lowered  }
0x9b: {  	s22 =	simm.s32 $0x1BFF;
	s21 =	sshll.u32 s6, $0x1;
	s3 =	sadd.s32 s4, s19  }
0x9c: {  	s7 =	simm.s32 $0x0;
	s20 =	sshll.u32 s5, $0x1;
	s5 =	sadd.s32 s21, s3  }
0x9d: {  	[timem:s7], [sflag:s22] =	dma.local [hbm:s5], s20  }
0x9e: {  	_ =	swait.ge [sflag:s22], s20  }
0x9f: {  	s4 =	ssub.s32 $0x0, s20;
	[sflag:s22] =	ssyncset.done $0x0  }
0xa0: {  	[sflag:s22] =	ssyncadd.s32 s4;
	_ =	sdelay $0x1  }
0xa1: {  	s23 =	simm.s32 $0x1B8B  }
0xa2: {  	_ =	swait.ge [sflag:s23], $0x1  }
0xa3: {  	[sflag:s23] =	ssyncset.done $0x0  }
0xa4: {  	s25 =	simm.s32 $0x1B8E;
	s24 =	sld [smem:$0x3FFE];
	[sflag:s23] =	ssyncadd.s32 $0xFFFFFFFF  }
0xa5: {  	s26 =	simm.s32 $execute0_lowered;
	[smem:$0x3FD2] =	sst s25  }
0xa6: {  	s5 =	sshll.u32 s26, $0x1;
	_ =	strace $0x80000049;
	[dreg:$0x1] =	wrdreg $0xFFFFFFFF  }
0xa7: {  	s28 =	simm.s32 $_size_execute0_lowered;
	s3 =	sadd.s32 s3, s5;
	[dreg:$0x0] =	wrdreg $0x0  }
0xa8: {  	s5 =	sshll.u32 s28, $0x1;
	[dreg:$0x2] =	wrdreg s3  }
0xa9: {  	[dreg:$0x3] =	wrdreg s5  }
0xaa: {  	[dreg:$0x4] =	wrdreg $0xC0  }
0xab: {  	_ =	task [dreg:s7], $0x5FFFF  }
0xac: {  	[dreg:$0x1] =	wrdreg $0xFFFFFFFF  }
0xad: {  	[dreg:$0x0] =	wrdreg $0x60  }
0xae: {  	[dreg:$0x2] =	wrdreg s2  }
0xaf: {  	[dreg:$0x3] =	wrdreg s24  }
0xb0: {  	[dreg:$0x4] =	wrdreg $0x9  }
0xb1: {  	_ =	task.clear_ibuf [dreg:s7], $0x5FFFF;
	_ =	strace $0x90000049  }
0xb2: {  	s29 =	simm.s32 $0x9;
	_ =	strace $0x8000004B  }
0xb3: {  	_ =	swait.ge [sflag:s29], $0x1  }
0xb4: {  	[sflag:s29] =	ssyncadd.s32 $0xFFFFFFFF  }
0xb5: {  	_ =	strace $0x9000004B  }
0xb6: {  	_ =	sfence  }
0xb7: {  	s30 =	sld [smem:$0x0];
	_ =	sdelay $0x2  }
0xb8: {  	s31 =	sshll.u32 s1, $0xD;
	s1 =	sshrl.u32 s1, $0x2  }
0xb9: {  	s3 =	sand.u32 $0x4000, s31;
	s1 =	sadd.s32 s1, s30  }
0xba: {  	s0 =	sor.u32 s3, s0;
	s1 =	sshll.u32 s1, $0x11  }
0xbb: {  	s0 =	sor.u32 s1, s0  }
0xbc: {  	s0 =	sadd.s32 $0x8F2B, s0  }
0xbd: {  	[sflag:s0] =	ssyncadd.remote.s32 $0x1  }
0xbe: {  	_ =	sfence.sel $0xFFFF  }
0xbf: {  	[dreg:$0x0] =	wrdreg $0xFFFFFFFF;
	(pc) =	sbr.abs _section_cstart, $3  }
0xc0: {  	[dreg:$0x1] =	wrdreg $0xFFFFFFFF  }
0xc1: {  	_ =	task.clear_ibuf [dreg:s7], $0x2FFFF;
	_ =	strace $0x9FFFFFFF  }
0xc2: {  	(tm) =	ssettm $0x7FFFFFFF  }
0xc3: {  	_ =	shalt  }
tec
execute0_lowered:
.L_overlay_start_1:
0x0: {  	(tag) =	ssettag $0x1  }
0x1: {  	s2 =	rddreg [dreg:$0x0];
	s0 =	stileid.u32  }
0x2: {  	s1 =	srdreg.scid;
	s8 =	rddreg [dreg:$0x1]  }
0x3: {  	s5 =	simm.s32 $0x1;
	s9 =	simm.s32 $0x1;
	s10 =	simm.s32 $0x3  }
0x4: {  	s13 =	simm.s32 $0x0;
	s3 =	sand.u32 $0x1, s1;
	s4 =	sshll.u32 s0, $0x1  }
0x5: {  	s12 =	simm.s32 $0x0;
	s1 =	rddreg [dreg:$0x2];
	s6 =	sor.u32 s4, s3  }
0x6: {  	_ =	strace $0x8000004A;
	s3 =	sadd.s32 $0x6400, s8;
	s4 =	smul.u32 $0x140, s6  }
0x7: {  	[sflag:s5] =	ssyncpa.u1 $0x0;
	p0 =	slt.u32 s6, $0x3;
	s6 =	simm.s32 $0x2800  }
.Ltmp0:
0x8: {  	s6 =	simm.s32 @!p0 $0x0;
	s7 =	ssub.s32 $0x2A80, s4;
	(pc) =	sbr.rel .LBB2_1-.Ltmp0, $4  }
0x9: {  	s9 =	simm.s32 @!p0 $0x0;
	p0 =	sne.s32 s7, s6;
	s7 =	simm.s32 $0x1  }
0xa: {  	s8 =	sadd.s32 $0x6A00, s8;
	s6 =	simm.s32 $0x2;
	s7 =	simm.s32 @!p0 $0x0  }
0xb: {  	s11 =	smov.u32 s4;
	[sflag:s6] =	ssyncpa.u1 $0x0;
	s7 =	sadd.s32 s9, s7  }
0xc: {  	vm0 =	vmmov $0xffff;
	[sflag:s10] =	ssyncpa.u1 $0x0;
	s10 =	simm.s32 $0x0;
	s9 =	sadd.s32 $0x1, s7  }
.LBB2_4:
0xd: {  	v6 =	vand.u32 $0x7F, v3;
	v4 =	vsel vm1, $0xFFFA7000, v4  }
0xe: {  	v5 =	vmul.u32 $0x2C800, v5;
	vm1 =	vmmov vm2;
	v56 =	vshll.u32 v3, $0x3  }
0xf: {  	v7 =	vand.u32 $0x7F, v1;
	v2 =	vshll.u32 v2, $0x7;
	v57 =	vshrl.u32 v1, $0x7  }
0x10: {  	v58 =	vshrl.u32 v1, $0xB;
	v4 =	vor.u32 v4, v6;
	v3 =	vand.u32 $0xFFFFFC00, v56  }
0x11: {  	v2 =	vand.u32 $0x380, v2;
	v4 =	vadd.s32 v5, v4;
	v5 =	vand.u32 $0xF, v57  }
0x12: {  	v1 =	vand.u32 $0x7FFF, v58;
	v59 =	vmul.u32 $0x59000, v7;
	v5 =	vsel vm1, $0xFFFFFFFF, v5  }
0x13: {  	v1 =	vsel vm1, $0xFFFFFFFF, v1;
	v3 =	vadd.s32 v3, v4;
	v60 =	vshrl.u32 v5, $0x3  }
0x14: {  	v61 =	vand.u32 $0x7F, v1;
	v6 =	vsel vm1, $0xFFFA7000, v59;
	v4 =	vmul.u32 $0x2C800, v60  }
0x15: {  	v1 =	vshll.u32 v1, $0x3;
	v2 =	vor.u32 v2, v3;
	v62 =	vor.u32 v6, v61  }
0x16: {  	v1 =	vand.u32 $0xFFFFFC00, v1;
	v5 =	vshll.u32 v5, $0x7;
	v3 =	vadd.s32 v4, v62  }
0x17: {  	v63 =	vand.u32 $0x380, v5;
	v1 =	vadd.s32 v1, v3  }
0x18: {  	(ifvalue) =	ssetifvalue $0x7FFFFFFF;
	s15 =	sadd.s32 $0x10, s15;
	v1 =	vor.u32 v63, v1  }
0x19: {  	[tilespmem:s15], [sflag:$0x1] =	stream.indirect_vreg.gather [hbm4b:s2+s10], $0x1, v0, vm0, $0x4038;
	[tilespmem:$0x500] =	vst v63  }
0x1a: {  	(ifvalue) =	ssetifvalue $0x7FFFFFFF;
	s15 =	sadd.s32 $0x10, s15  }
0x1b: {  	[tilespmem:s15], [sflag:$0x1] =	stream.indirect_vreg.gather [hbm4b:s2+s10], $0x1, v2, vm0, $0x4038;
	[tilespmem:$0x500] =	vst v63  }
0x1c: {  	(ifvalue) =	ssetifvalue $0x7FFFFFFF;
	s15 =	sadd.s32 $0x10, s15  }
0x1d: {  	[tilespmem:s15], [sflag:$0x1] =	stream.indirect_vreg.gather [hbm4b:s2+s10], $0x1, v1, vm0, $0x4038;
	[tilespmem:$0x500] =	vst v63  }
0x1e: {  	_ =	swait.ge [sflag:s5], $0x140  }
0x1f: {  	s30 =	sshrl.u32 s13, $0x3;
	[sflag:s5] =	ssyncset.done $0x0  }
0x20: {  	s31 =	sand.u32 $0x7, s13;
	s15 =	sadd.s32 s8, s30;
	[sflag:s5] =	ssyncadd.s32 $0xFFFFFEC0  }
0x21: {  	[hbm4b:s15+s31] =	stream.linear.scatter [tilespmem:s14], [sflag:$0x3], $0x140, $0x38;
	[tilespmem:$0x500] =	vst v63  }
.LBB2_5:
0x22: {  	s15 =	sadd.s32 $0x2800, s11  }
0x23: {  	p1 =	sgt.s32 s15, $0x2A7F  }
0x24: {  	s15 =	smov.u32 @p1 s4;
	p1 =	sne.s32 s12, s9  }
.Ltmp1:
0x25: {  	p0 =	slt.u32 s12, $0x2;
	(pc) =	sbr.rel @!p1 .LBB2_6-.Ltmp1, $4  }
0x26: {  	s14 =	simm.s32 @!p0 $0x3  }
0x27: {  	_ =	swait.ge @!p0 [sflag:s14], $0x140  }
0x28: {  	s16 =	sadd.s32 $0x1, s12;
	s13 =	smov.u32 s11;
	[sflag:s14] =	ssyncset.done @!p0 $0x0  }
0x29: {  	s12 =	smov.u32 s16;
	s11 =	smov.u32 s15;
	[sflag:s14] =	ssyncadd.s32 @!p0 $0xFFFFFEC0  }
.LBB2_1:
0x2a: {  	p0 =	sge.u32 s12, s7  }
0x2b: {  	s14 =	sxor.u32 @!p0 $0x1, s12  }
0x2c: {  	s14 =	smul.u32 @!p0 $0x500, s14  }
0x2d: {  	s31 =	sadd.s32 $0xFFFFFFFF, s12;
	s15 =	sshrl.u32 @!p0 s11, $0x3  }
0x2e: {  	s16 =	sand.u32 @!p0 $0x7, s11;
	s15 =	sadd.s32 @!p0 s3, s15;
	s14 =	sshra.s32 @!p0 s14, $0x2  }
0x2f: {  	[tilespmem:s14], [sflag:$0x2] =	stream.linear.gather @!p0 [hbm4b:s15+s16], $0x140, $0x38;
	[tilespmem:$0x500] =	vst v63  }
0x30: {  	p0 =	sge.u32 s31, s7  }
.Ltmp2:
0x31: {  	_ = 	snop;
	(pc) =	sbr.rel @p0 .LBB2_5-.Ltmp2, $1  }
0x32: {  	_ =	sdelay $0x3  }
0x33: {  	s14 =	sand.u32 $0x1, s12  }
0x34: {  	_ =	swait.ge [sflag:s6], $0x140;
	p0 =	seq.s32 s14, $0x1;
	s14 =	simm.s32 $0x140  }
0x35: {  	[sflag:s6] =	ssyncset.done $0x0;
	s14 =	simm.s32 @!p0 $0x0  }
0x36: {  	[sflag:s6] =	ssyncadd.s32 $0xFFFFFEC0;
	(ifvalue) =	ssetifvalue $0x7FFFFFFF;
	v0 =	vld.msk [tilespmem:s14+$0x0 ss:$0x1], $0xffff;
	_ =	sdelay $0x1  }
0x37: {  	s15 =	sadd.s32 $0x10, s14  }
0x38: {  	v1 =	vld.msk [tilespmem:s15+$0x0 ss:$0x1], $0xffff;
	s15 =	sadd.s32 $0x10, s15  }
0x39: {  	v6 =	vld.msk [tilespmem:s15+$0x0 ss:$0x1], $0xffff  }
0x3a: {  	vm1 =	veq.s32 v0, $0x80000000;
	v2 =	vand.u32 $0x7F, v0  }
0x3b: {  	v3 =	vshrl.u32 v0, $0x7;
	v0 =	vshrl.u32 v0, $0xB;
	vm1 =	vmmov vm1  }
0x3c: {  	v3 =	vand.u32 $0xF, v3;
	v0 =	vand.u32 $0x7FFF, v0;
	v2 =	vmul.u32 $0x59000, v2  }
0x3d: {  	vm2 =	veq.s32 v1, $0x80000000;
	v7 =	vand.u32 $0x7F, v1;
	v3 =	vsel vm1, $0xFFFFFFFF, v3  }
0x3e: {  	v0 =	vsel vm1, $0xFFFFFFFF, v0;
	v8 =	vand.u32 $0x7F, v6;
	v4 =	vshrl.u32 v3, $0x3  }
0x3f: {  	v5 =	vand.u32 $0x7F, v0;
	v2 =	vsel vm1, $0xFFFA7000, v2;
	vm1 =	vmmov vm2  }
0x40: {  	v0 =	vshll.u32 v0, $0x3;
	v3 =	vshll.u32 v3, $0x7;
	v4 =	vmul.u32 $0x2C800, v4  }
0x41: {  	v2 =	vor.u32 v2, v5;
	v0 =	vand.u32 $0xFFFFFC00, v0;
	v3 =	vand.u32 $0x380, v3  }
0x42: {  	v2 =	vadd.s32 v4, v2;
	v4 =	vshrl.u32 v1, $0x7;
	v1 =	vshrl.u32 v1, $0xB  }
0x43: {  	v0 =	vadd.s32 v0, v2;
	v2 =	vand.u32 $0xF, v4;
	v1 =	vand.u32 $0x7FFF, v1  }
0x44: {  	v0 =	vor.u32 v3, v0;
	v2 =	vsel vm1, $0xFFFFFFFF, v2;
	v3 =	vmul.u32 $0x59000, v7  }
0x45: {  	vm2 =	veq.s32 v6, $0x80000000;
	v4 =	vsel vm1, $0xFFFFFFFF, v1;
	v1 =	vshrl.u32 v2, $0x3  }
0x46: {  	s15 =	sadd.s32 $0x10, s15;
	v5 =	vand.u32 $0x7F, v4;
	v3 =	vsel vm1, $0xFFFA7000, v3;
	v7 =	vmul.u32 $0x2C800, v1  }
0x47: {  	v4 =	vshll.u32 v4, $0x3;
	v2 =	vshll.u32 v2, $0x7;
	v1 =	vld.msk [tilespmem:s15+$0x0 ss:$0x1], $0xffff;
	v3 =	vor.u32 v3, v5  }
0x48: {  	vm1 =	vmmov vm2;
	v4 =	vand.u32 $0xFFFFFC00, v4;
	v3 =	vadd.s32 v7, v3  }
0x49: {  	s14 =	sor.u32 $0x280, s14;
	(ifvalue) =	ssetifvalue $0x7FFFFFFF;
	v2 =	vand.u32 $0x380, v2;
	v5 =	vshrl.u32 v6, $0x7;
	v3 =	vadd.s32 v4, v3  }
0x4a: {  	[tilespmem:s14], [sflag:$0x1] =	stream.indirect_vreg.gather [hbm4b:s2+s10], $0x1, v0, vm0, $0x4038;
	v4 =	vand.u32 $0xF, v5;
	v5 =	vshrl.u32 v6, $0xB;
	v0 =	vor.u32 v2, v3;
	[tilespmem:$0x500] =	vst v63  }
0x4b: {  	v2 =	vsel vm1, $0xFFFFFFFF, v4;
	v3 =	vand.u32 $0x7FFF, v5;
	v4 =	vmul.u32 $0x59000, v8  }
0x4c: {  	s16 =	simm.s32 $0x30;
	s17 =	sadd.s32 $0x10, s15;
	s15 =	smov.u32 s14;
	vm2 =	veq.s32 v1, $0x80000000;
	v3 =	vsel vm1, $0xFFFFFFFF, v3;
	v5 =	vshrl.u32 v2, $0x3  }
.LBB2_3:
0x4d: {  	v7 =	vand.u32 $0x7F, v3  }
0x4e: {  	v6 =	vld.msk [tilespmem:s17+$0x0 ss:$0x1], $0xffff;
	v4 =	vsel vm1, $0xFFFA7000, v4;
	v5 =	vmul.u32 $0x2C800, v5;
	vm1 =	vmmov vm2;
	s16 =	sadd.s32 $0x10, s16  }
0x4f: {  	v8 =	vand.u32 $0x7F, v1;
	v3 =	vshll.u32 v3, $0x3;
	s15 =	sadd.s32 $0x10, s15;
	v4 =	vor.u32 v4, v7;
	(ifvalue) =	ssetifvalue $0x7FFFFFFF;
	p0 =	slt.u32 s16, $0x130  }
0x50: {  	[tilespmem:s15], [sflag:$0x1] =	stream.indirect_vreg.gather [hbm4b:s2+s10], $0x1, v0, vm0, $0x4038;
	[tilespmem:$0x500] =	vst v63  }
.Ltmp3:
0x51: {  	v2 =	vshll.u32 v2, $0x7;
	v3 =	vand.u32 $0xFFFFFC00, v3;
	v4 =	vadd.s32 v5, v4;
	(pc) =	sbr.rel @p0 .LBB2_3-.Ltmp3, $4  }
0x52: {  	v2 =	vand.u32 $0x380, v2;
	v0 =	vshrl.u32 v1, $0x7;
	v3 =	vadd.s32 v3, v4  }
0x53: {  	v9 =	vshrl.u32 v1, $0xB;
	v4 =	vand.u32 $0xF, v0;
	v0 =	vor.u32 v2, v3  }
0x54: {  	v7 =	vand.u32 $0x7FFF, v9;
	v2 =	vsel vm1, $0xFFFFFFFF, v4;
	v4 =	vmul.u32 $0x59000, v8  }
0x55: {  	s17 =	sadd.s32 $0x10, s17;
	v3 =	vsel vm1, $0xFFFFFFFF, v7;
	vm2 =	veq.s32 v6, $0x80000000;
	v5 =	vshrl.u32 v2, $0x3;
	v1 =	vmovc v6  }
.Ltmp4:
0x56: {  	_ = 	snop;
	(pc) =	sbr.rel .LBB2_4-.Ltmp4, $1  }
0x57: {  	_ =	sdelay $0x3  }
.LBB2_6:
0x58: {  	_ =	sfence.sel $0x180000  }
0x59: {  	s2 =	simm.s32 $0x2;
	[bflag:$0x0] =	sbarrier.arrive $0xFFFF  }
0x5a: {  	s30 =	simm.s32 $0x3;
	[sflag:s2] =	ssyncpa.u1 $0x1  }
0x5b: {  	s31 =	simm.s32 $0x1;
	[sflag:s30] =	ssyncpa.u1 $0x1  }
0x5c: {  	[sflag:s31] =	ssyncpa.u1 $0x1  }
0x5d: {  	p0 =	sne.s32 s0, $0x0;
	_ =	strace $0x9000004A  }
0x5e: {  	s0 =	sadd.s32 @!p0 $0x100000, s1;
	[bflag:$0x2] =	sbarrier.arrive $0xFFFF  }
0x5f: {  	[sflag:s0] =	ssyncadd.tile.s32 @!p0 $0x1;
	_ =	shalt  }
.Lfunc_end2:
_tile_overlayer_lowered:
.L_overlay_start_2:
0x60: {  	(tag) =	ssettag $0x2  }
0x61: {  	s0 =	rddreg [dreg:$0x0];
	s2 =	stileid.u32  }
0x62: {  	s1 =	rddreg [dreg:$0x1];
	p0 =	sne.s32 s2, $0x0  }
0x63: {  	s3 =	rddreg [dreg:$0x2];
	[bflag:$0x3] =	sbarrier.arrive $0xFFFF;
	s2 =	simm.s32 @!p0 $0x1C01  }
0x64: {  	[timem:s3], [sflag:s2] =	dma.local @!p0 [hbm:s0], s1  }
0x65: {  	s0 =	simm.s32 @!p0 $0x1  }
0x66: {  	_ =	swait.ge @!p0 [sflag:s0], s1  }
0x67: {  	s1 =	ssub.s32 @!p0 $0x0, s1;
	[sflag:s0] =	ssyncset.done @!p0 $0x0  }
0x68: {  	[sflag:s0] =	ssyncadd.s32 @!p0 s1  }
0x69: {  	[bflag:$0x3] =	sbarrier.arrive $0xFFFF  }
0x6a: {  	_ =	shalt  }

// kernel: gather_offload_async_start
scs
__scs_entry_jumppad:
0x0: {  	(pc) =	sbr.rel $0x88, $3  }
0x1: {  	(tag) =	ssettag $0x0;
	lr =	simm.s32 $0x1  }
0x2: {  	[smem:$0x3F9D] =	sst lr;
	_ =	strace $0xD0000000  }
0x3: {  	_ = 	snop  }
0x4: {  	_ = 	snop  }
0x5: {  	_ = 	snop  }
0x6: {  	_ = 	snop  }
0x7: {  	_ = 	snop  }
__scs_overlays_trampoline_lowered:
0x8: {  	[smem:$0x3FAC] =	sst s0  }
0x9: {  	[smem:$0x3FAD] =	sst s1  }
0xa: {  	[smem:$0x3FAE] =	sst s2  }
0xb: {  	[smem:$0x3FAF] =	sst s3  }
0xc: {  	[smem:$0x3FB0] =	sst s4  }
0xd: {  	[smem:$0x3FB1] =	sst s5  }
0xe: {  	[smem:$0x3FB2] =	sst s6  }
0xf: {  	[smem:$0x3FB3] =	sst s7  }
0x10: {  	[smem:$0x3FB4] =	sst s8  }
0x11: {  	[smem:$0x3FB5] =	sst s9;
	s0 =	simm.s32 @!p0 $0x0  }
0x12: {  	s1 =	sld [smem:$0x3F9B];
	s0 =	simm.s32 @p0 $0x1  }
0x13: {  	[smem:$0x3FB6] =	sst s0;
	s0 =	simm.s32 @!p1 $0x0  }
0x14: {  	s2 =	sld [smem:$0x3F9A];
	s0 =	simm.s32 @p1 $0x1  }
0x15: {  	[smem:$0x3FB7] =	sst s0;
	s0 =	simm.s32 @!p2 $0x0  }
0x16: {  	s3 =	sld [smem:$0x3FDB];
	s0 =	simm.s32 @p2 $0x1  }
0x17: {  	s4 =	simm.s32 $0x1BF5;
	[smem:$0x3FB9] =	sst s0  }
0x18: {  	s0 =	sld [smem:$0x3F9C];
	_ =	swait.ge [sflag:s4], $0x0  }
0x19: {  	s7 =	sld [smem:$0x3F9D]  }
0x1a: {  	s8 =	sadd.s32 $0xFFFFE003, lr  }
0x1b: {  	s9 =	sadd.s32 $0xFFFFFEF7, lr;
	s5 =	simm.s32 $0xFFFFFFFF;
	p2 =	slt.u32 s8, $0xFFFFF086  }
0x1c: {  	p1 =	slt.u32 s9, $0xF7A;
	s5 =	simm.s32 @!p2 $0x0  }
0x1d: {  	s5 =	simm.s32 @p1 $0x1;
	p0 =	seq.s32 s7, s2  }
0x1e: {  	s7 =	smul.u32 @!p0 $0xF7A, s2;
	p2 =	seq.s32 @!p0 s5, $0x0  }
0x1f: {  	s9 =	smul.u32 $0xF7A, s1;
	s8 =	simm.s32 @!p0 $0x1BF5;
	p2 =	por !p2, p0  }
0x20: {  	[sflag:s8] =	ssyncset.s32 @!p0 $0xFFFFF086;
	s6 =	sadd.s32 @!p0 s3, s7;
	s7 =	simm.s32 @!p0 $0x108  }
0x21: {  	s3 =	sadd.s32 s3, s9;
	s6 =	sadd.s32 @!p0 $0x88, s6;
	s7 =	simm.s32 @p2 $0x1082  }
0x22: {  	[simem:s7], [sflag:s8] =	dma.local @!p0 [hbm:s6], $0xF7A  }
0x23: {  	s9 =	sor.u32 $0xD0000000, s2;
	s6 =	simm.s32 $0x108;
	_ =	swait.ge @!p0 [sflag:s8], $0x0  }
0x24: {  	s3 =	sadd.s32 $0x88, s3;
	s6 =	simm.s32 @!p1 $0x1082;
	[sflag:s4] =	ssyncset.s32 $0xFFFFF086  }
0x25: {  	[simem:s6], [sflag:s4] =	dma.local [hbm:s3], $0xF7A  }
0x26: {  	[smem:$0x3F9D] =	sst s1;
	(tag) =	ssettag s2;
	_ =	strace s9  }
0x27: {  	s1 =	sld [smem:$0x3FAD]  }
0x28: {  	s2 =	sld [smem:$0x3FAE]  }
0x29: {  	s4 =	sld [smem:$0x3FB0]  }
0x2a: {  	p0 =	seq.s32 s5, $0x0;
	s5 =	sld [smem:$0x3FB1]  }
0x2b: {  	s6 =	sld [smem:$0x3FB2]  }
0x2c: {  	s7 =	sld [smem:$0x3FB3]  }
0x2d: {  	s3 =	simm.s32 $0x108;
	s8 =	sld [smem:$0x3FB4]  }
0x2e: {  	s3 =	simm.s32 @!p0 $0x1082;
	s9 =	sld [smem:$0x3FB5]  }
0x2f: {  	lr =	sadd.s32 s0, s3;
	s0 =	sld [smem:$0x3FAC]  }
0x30: {  	s3 =	sld [smem:$0x3FAF]  }
0x31: {  	[smem:$0x3FB8] =	sst s10  }
0x32: {  	s10 =	sld [smem:$0x3FB6];
	_ =	sdelay $0x3  }
0x33: {  	p0 =	seq.s32 s10, $0x1;
	s10 =	sld [smem:$0x3FB8];
	_ =	sdelay $0x3  }
0x34: {  	[smem:$0x3FB8] =	sst s10  }
0x35: {  	s10 =	sld [smem:$0x3FB7];
	_ =	sdelay $0x3  }
0x36: {  	p1 =	seq.s32 s10, $0x1;
	s10 =	sld [smem:$0x3FB8];
	_ =	sdelay $0x3  }
0x37: {  	[smem:$0x3FB8] =	sst s10  }
0x38: {  	s10 =	sld [smem:$0x3FB9]  }
0x39: {  	_ = 	snop;
	(pc) =	sbr.ind lr, $3  }
0x3a: {  	_ = 	snop  }
0x3b: {  	_ = 	snop  }
0x3c: {  	p2 =	seq.s32 s10, $0x1;
	s10 =	sld [smem:$0x3FB8]  }
0x3d: {  	_ =	shalt  }
0x3e: {  	_ =	shalt  }
0x3f: {  	_ =	shalt  }
0x40: {  	_ =	shalt  }
0x41: {  	_ =	shalt  }
0x42: {  	_ =	shalt  }
0x43: {  	_ =	shalt  }
0x44: {  	_ =	shalt  }
0x45: {  	_ =	shalt  }
0x46: {  	_ =	shalt  }
0x47: {  	_ =	shalt  }
0x48: {  	_ =	shalt  }
0x49: {  	_ =	shalt  }
0x4a: {  	_ =	shalt  }
0x4b: {  	_ =	shalt  }
0x4c: {  	_ =	shalt  }
0x4d: {  	_ =	shalt  }
0x4e: {  	_ =	shalt  }
0x4f: {  	_ =	shalt  }
0x50: {  	_ =	shalt  }
0x51: {  	_ =	shalt  }
0x52: {  	_ =	shalt  }
0x53: {  	_ =	shalt  }
0x54: {  	_ =	shalt  }
0x55: {  	_ =	shalt  }
0x56: {  	_ =	shalt  }
0x57: {  	_ =	shalt  }
0x58: {  	_ =	shalt  }
0x59: {  	_ =	shalt  }
0x5a: {  	_ =	shalt  }
0x5b: {  	_ =	shalt  }
0x5c: {  	_ =	shalt  }
0x5d: {  	_ =	shalt  }
0x5e: {  	_ =	shalt  }
0x5f: {  	_ =	shalt  }
0x60: {  	_ =	shalt  }
0x61: {  	_ =	shalt  }
0x62: {  	_ =	shalt  }
0x63: {  	_ =	shalt  }
0x64: {  	_ =	shalt  }
0x65: {  	_ =	shalt  }
0x66: {  	_ =	shalt  }
0x67: {  	_ =	shalt  }
0x68: {  	_ =	shalt  }
0x69: {  	_ =	shalt  }
0x6a: {  	_ =	shalt  }
0x6b: {  	_ =	shalt  }
0x6c: {  	_ =	shalt  }
0x6d: {  	_ =	shalt  }
0x6e: {  	_ =	shalt  }
0x6f: {  	_ =	shalt  }
0x70: {  	_ =	shalt  }
0x71: {  	_ =	shalt  }
0x72: {  	_ =	shalt  }
0x73: {  	_ =	shalt  }
0x74: {  	_ =	shalt  }
0x75: {  	_ =	shalt  }
0x76: {  	_ =	shalt  }
0x77: {  	_ =	shalt  }
0x78: {  	_ =	shalt  }
0x79: {  	_ =	shalt  }
0x7a: {  	_ =	shalt  }
0x7b: {  	_ =	shalt  }
0x7c: {  	_ =	shalt  }
0x7d: {  	_ =	shalt  }
0x7e: {  	_ =	shalt  }
0x7f: {  	_ =	shalt  }
0x80: {  	_ =	shalt  }
0x81: {  	_ =	shalt  }
0x82: {  	_ =	shalt  }
0x83: {  	_ =	shalt  }
0x84: {  	_ =	shalt  }
0x85: {  	_ =	shalt  }
0x86: {  	_ =	shalt  }
0x87: {  	_ =	shalt  }
.Lfunc_end0:
.L_simem_size_0:
called_computation_lowered:
.L_overlay_start_0:
0x88: {  	s2 =	sld [smem:$0x3FD9]  }
0x89: {  	s3 =	sld [smem:$0x3FFE];
	_ =	sdelay $0x1  }
0x8a: {  	s1 =	srdreg.scid  }
0x8b: {  	s0 =	sand.u32 $0x1, s1  }
0x8c: {  	s17 =	sshll.u32 s0, $0xA;
	s2 =	sadd.s32 s3, s2  }
0x8d: {  	s2 =	sadd.s32 s2, s17  }
0x8e: {  	[smem:$0x3FC4] =	sst s2  }
0x8f: {  	_ = 	snop  }
0x90: {  	s2 =	sld [smem:$0x3FC9];
	(tm) =	ssettm $0x1  }
0x91: {  	s18 =	sld [smem:$0x3FFB];
	_ =	sdelay $0x3  }
0x92: {  	_ =	strace s18  }
0x93: {  	s3 =	sld [smem:$0x3FFC];
	_ =	sdelay $0x3  }
0x94: {  	_ =	strace s3  }
0x95: {  	s3 =	sld [smem:$0x3FFD];
	_ =	sdelay $0x3  }
0x96: {  	_ =	strace s3  }
0x97: {  	_ =	strace $0x8FFFFFFF  }
0x98: {  	s19 =	sld [smem:$0x3FDB];
	_ =	sdelay $0x1  }
0x99: {  	s4 =	simm.s32 $_scs_section_size  }
0x9a: {  	s5 =	simm.s32 $_size__tile_overlayer_lowered;
	s6 =	simm.s32 $_tile_overlayer_lowered  }
0x9b: {  	s22 =	simm.s32 $0x1BFF;
	s21 =	sshll.u32 s6, $0x1;
	s3 =	sadd.s32 s4, s19  }
0x9c: {  	s7 =	simm.s32 $0x0;
	s20 =	sshll.u32 s5, $0x1;
	s5 =	sadd.s32 s21, s3  }
0x9d: {  	[timem:s7], [sflag:s22] =	dma.local [hbm:s5], s20  }
0x9e: {  	_ =	swait.ge [sflag:s22], s20  }
0x9f: {  	s4 =	ssub.s32 $0x0, s20;
	[sflag:s22] =	ssyncset.done $0x0  }
0xa0: {  	[sflag:s22] =	ssyncadd.s32 s4;
	_ =	sdelay $0x1  }
0xa1: {  	s23 =	simm.s32 $0x1B8B  }
0xa2: {  	_ =	swait.ge [sflag:s23], $0x1  }
0xa3: {  	[sflag:s23] =	ssyncset.done $0x0  }
0xa4: {  	s25 =	simm.s32 $0x1B8E;
	s24 =	sld [smem:$0x3FFE];
	[sflag:s23] =	ssyncadd.s32 $0xFFFFFFFF  }
0xa5: {  	s26 =	simm.s32 $execute0_lowered;
	[smem:$0x3FD2] =	sst s25  }
0xa6: {  	s5 =	sshll.u32 s26, $0x1;
	_ =	strace $0x80000046;
	[dreg:$0x1] =	wrdreg $0xFFFFFFFF  }
0xa7: {  	s28 =	simm.s32 $_size_execute0_lowered;
	s3 =	sadd.s32 s3, s5;
	[dreg:$0x0] =	wrdreg $0x0  }
0xa8: {  	s5 =	sshll.u32 s28, $0x1;
	[dreg:$0x2] =	wrdreg s3  }
0xa9: {  	[dreg:$0x3] =	wrdreg s5  }
0xaa: {  	[dreg:$0x4] =	wrdreg $0xC0  }
0xab: {  	_ =	task [dreg:s7], $0x5FFFF  }
0xac: {  	[dreg:$0x1] =	wrdreg $0xFFFFFFFF  }
0xad: {  	[dreg:$0x0] =	wrdreg $0x60  }
0xae: {  	[dreg:$0x2] =	wrdreg s2  }
0xaf: {  	[dreg:$0x3] =	wrdreg s24  }
0xb0: {  	[dreg:$0x4] =	wrdreg $0x9  }
0xb1: {  	_ =	task.clear_ibuf [dreg:s7], $0x5FFFF;
	_ =	strace $0x90000046  }
0xb2: {  	s29 =	simm.s32 $0x9;
	_ =	strace $0x80000048  }
0xb3: {  	_ =	swait.ge [sflag:s29], $0x1  }
0xb4: {  	[sflag:s29] =	ssyncadd.s32 $0xFFFFFFFF  }
0xb5: {  	_ =	strace $0x90000048  }
0xb6: {  	_ =	sfence  }
0xb7: {  	s30 =	sld [smem:$0x0];
	_ =	sdelay $0x2  }
0xb8: {  	s31 =	sshll.u32 s1, $0xD;
	s1 =	sshrl.u32 s1, $0x2  }
0xb9: {  	s3 =	sand.u32 $0x4000, s31;
	s1 =	sadd.s32 s1, s30  }
0xba: {  	s0 =	sor.u32 s3, s0;
	s1 =	sshll.u32 s1, $0x11  }
0xbb: {  	s0 =	sor.u32 s1, s0  }
0xbc: {  	s0 =	sadd.s32 $0x8F2B, s0  }
0xbd: {  	[sflag:s0] =	ssyncadd.remote.s32 $0x1  }
0xbe: {  	_ =	sfence.sel $0xFFFF  }
0xbf: {  	[dreg:$0x0] =	wrdreg $0xFFFFFFFF;
	(pc) =	sbr.abs _section_cstart, $3  }
0xc0: {  	[dreg:$0x1] =	wrdreg $0xFFFFFFFF  }
0xc1: {  	_ =	task.clear_ibuf [dreg:s7], $0x2FFFF;
	_ =	strace $0x9FFFFFFF  }
0xc2: {  	(tm) =	ssettm $0x7FFFFFFF  }
0xc3: {  	_ =	shalt  }
tec
execute0_lowered:
.L_overlay_start_1:
0x0: {  	(tag) =	ssettag $0x1  }
0x1: {  	s2 =	rddreg [dreg:$0x0];
	s0 =	stileid.u32  }
0x2: {  	s1 =	srdreg.scid;
	s8 =	rddreg [dreg:$0x1]  }
0x3: {  	s5 =	simm.s32 $0x1;
	s9 =	simm.s32 $0x1;
	s10 =	simm.s32 $0x3  }
0x4: {  	s13 =	simm.s32 $0x0;
	s3 =	sand.u32 $0x1, s1;
	s4 =	sshll.u32 s0, $0x1  }
0x5: {  	s12 =	simm.s32 $0x0;
	s1 =	rddreg [dreg:$0x2];
	s6 =	sor.u32 s4, s3  }
0x6: {  	_ =	strace $0x80000047;
	s3 =	sadd.s32 $0x7800, s8;
	s4 =	smul.u32 $0xB40, s6  }
0x7: {  	[sflag:s5] =	ssyncpa.u1 $0x0;
	p0 =	slt.u32 s6, $0x3;
	s6 =	simm.s32 $0x16800  }
.Ltmp0:
0x8: {  	s6 =	simm.s32 @!p0 $0x0;
	s7 =	ssub.s32 $0x17E80, s4;
	(pc) =	sbr.rel .LBB2_1-.Ltmp0, $4  }
0x9: {  	s9 =	simm.s32 @!p0 $0x0;
	p0 =	sne.s32 s7, s6;
	s7 =	simm.s32 $0x1  }
0xa: {  	s8 =	sadd.s32 $0xB000, s8;
	s6 =	simm.s32 $0x2;
	s7 =	simm.s32 @!p0 $0x0  }
0xb: {  	s11 =	smov.u32 s4;
	[sflag:s6] =	ssyncpa.u1 $0x0;
	s7 =	sadd.s32 s9, s7  }
0xc: {  	vm0 =	vmmov $0xffff;
	[sflag:s10] =	ssyncpa.u1 $0x0;
	s10 =	simm.s32 $0x0;
	s9 =	sadd.s32 $0x1, s7  }
.LBB2_4:
0xd: {  	v6 =	vand.u32 $0x7F, v3;
	v4 =	vsel vm1, $0xFFFA7000, v4  }
0xe: {  	v5 =	vmul.u32 $0x2C800, v5;
	vm1 =	vmmov vm2;
	v56 =	vshll.u32 v3, $0x3  }
0xf: {  	v7 =	vand.u32 $0x7F, v1;
	v2 =	vshll.u32 v2, $0x7;
	v57 =	vshrl.u32 v1, $0x7  }
0x10: {  	v58 =	vshrl.u32 v1, $0xB;
	v4 =	vor.u32 v4, v6;
	v3 =	vand.u32 $0xFFFFFC00, v56  }
0x11: {  	v2 =	vand.u32 $0x380, v2;
	v4 =	vadd.s32 v5, v4;
	v5 =	vand.u32 $0xF, v57  }
0x12: {  	v1 =	vand.u32 $0x7FFF, v58;
	v59 =	vmul.u32 $0x59000, v7;
	v5 =	vsel vm1, $0xFFFFFFFF, v5  }
0x13: {  	v1 =	vsel vm1, $0xFFFFFFFF, v1;
	v3 =	vadd.s32 v3, v4;
	v60 =	vshrl.u32 v5, $0x3  }
0x14: {  	v61 =	vand.u32 $0x7F, v1;
	v6 =	vsel vm1, $0xFFFA7000, v59;
	v4 =	vmul.u32 $0x2C800, v60  }
0x15: {  	v1 =	vshll.u32 v1, $0x3;
	v2 =	vor.u32 v2, v3;
	v62 =	vor.u32 v6, v61  }
0x16: {  	v1 =	vand.u32 $0xFFFFFC00, v1;
	v5 =	vshll.u32 v5, $0x7;
	v3 =	vadd.s32 v4, v62  }
0x17: {  	v63 =	vand.u32 $0x380, v5;
	v1 =	vadd.s32 v1, v3  }
0x18: {  	(ifvalue) =	ssetifvalue $0x7FFFFFFF;
	s15 =	sadd.s32 $0x10, s15;
	v1 =	vor.u32 v63, v1  }
0x19: {  	[tilespmem:s15], [sflag:$0x1] =	stream.indirect_vreg.gather [hbm4b:s2+s10], $0x1, v0, vm0, $0x4038;
	[tilespmem:$0x2D00] =	vst v63  }
0x1a: {  	(ifvalue) =	ssetifvalue $0x7FFFFFFF;
	s15 =	sadd.s32 $0x10, s15  }
0x1b: {  	[tilespmem:s15], [sflag:$0x1] =	stream.indirect_vreg.gather [hbm4b:s2+s10], $0x1, v2, vm0, $0x4038;
	[tilespmem:$0x2D00] =	vst v63  }
0x1c: {  	(ifvalue) =	ssetifvalue $0x7FFFFFFF;
	s15 =	sadd.s32 $0x10, s15  }
0x1d: {  	[tilespmem:s15], [sflag:$0x1] =	stream.indirect_vreg.gather [hbm4b:s2+s10], $0x1, v1, vm0, $0x4038;
	[tilespmem:$0x2D00] =	vst v63  }
0x1e: {  	_ =	swait.ge [sflag:s5], $0xB40  }
0x1f: {  	s30 =	sshrl.u32 s13, $0x3;
	[sflag:s5] =	ssyncset.done $0x0  }
0x20: {  	s31 =	sand.u32 $0x7, s13;
	s15 =	sadd.s32 s8, s30;
	[sflag:s5] =	ssyncadd.s32 $0xFFFFF4C0  }
0x21: {  	[hbm4b:s15+s31] =	stream.linear.scatter [tilespmem:s14], [sflag:$0x3], $0xB40, $0x38;
	[tilespmem:$0x2D00] =	vst v63  }
.LBB2_5:
0x22: {  	s15 =	sadd.s32 $0x16800, s11  }
0x23: {  	p1 =	sgt.s32 s15, $0x17E7F  }
0x24: {  	s15 =	smov.u32 @p1 s4;
	p1 =	sne.s32 s12, s9  }
.Ltmp1:
0x25: {  	p0 =	slt.u32 s12, $0x2;
	(pc) =	sbr.rel @!p1 .LBB2_6-.Ltmp1, $4  }
0x26: {  	s14 =	simm.s32 @!p0 $0x3  }
0x27: {  	_ =	swait.ge @!p0 [sflag:s14], $0xB40  }
0x28: {  	s16 =	sadd.s32 $0x1, s12;
	s13 =	smov.u32 s11;
	[sflag:s14] =	ssyncset.done @!p0 $0x0  }
0x29: {  	s12 =	smov.u32 s16;
	s11 =	smov.u32 s15;
	[sflag:s14] =	ssyncadd.s32 @!p0 $0xFFFFF4C0  }
.LBB2_1:
0x2a: {  	p0 =	sge.u32 s12, s7  }
0x2b: {  	s14 =	sxor.u32 @!p0 $0x1, s12  }
0x2c: {  	s14 =	smul.u32 @!p0 $0x2D00, s14  }
0x2d: {  	s31 =	sadd.s32 $0xFFFFFFFF, s12;
	s15 =	sshrl.u32 @!p0 s11, $0x3  }
0x2e: {  	s16 =	sand.u32 @!p0 $0x7, s11;
	s15 =	sadd.s32 @!p0 s3, s15;
	s14 =	sshra.s32 @!p0 s14, $0x2  }
0x2f: {  	[tilespmem:s14], [sflag:$0x2] =	stream.linear.gather @!p0 [hbm4b:s15+s16], $0xB40, $0x38;
	[tilespmem:$0x2D00] =	vst v63  }
0x30: {  	p0 =	sge.u32 s31, s7  }
.Ltmp2:
0x31: {  	_ = 	snop;
	(pc) =	sbr.rel @p0 .LBB2_5-.Ltmp2, $1  }
0x32: {  	_ =	sdelay $0x3  }
0x33: {  	s14 =	sand.u32 $0x1, s12  }
0x34: {  	_ =	swait.ge [sflag:s6], $0xB40;
	p0 =	seq.s32 s14, $0x1;
	s14 =	simm.s32 $0xB40  }
0x35: {  	[sflag:s6] =	ssyncset.done $0x0;
	s14 =	simm.s32 @!p0 $0x0  }
0x36: {  	[sflag:s6] =	ssyncadd.s32 $0xFFFFF4C0;
	(ifvalue) =	ssetifvalue $0x7FFFFFFF;
	v0 =	vld.msk [tilespmem:s14+$0x0 ss:$0x1], $0xffff;
	_ =	sdelay $0x1  }
0x37: {  	s15 =	sadd.s32 $0x10, s14  }
0x38: {  	v1 =	vld.msk [tilespmem:s15+$0x0 ss:$0x1], $0xffff;
	s15 =	sadd.s32 $0x10, s15  }
0x39: {  	v6 =	vld.msk [tilespmem:s15+$0x0 ss:$0x1], $0xffff  }
0x3a: {  	vm1 =	veq.s32 v0, $0x80000000;
	v2 =	vand.u32 $0x7F, v0  }
0x3b: {  	v3 =	vshrl.u32 v0, $0x7;
	v0 =	vshrl.u32 v0, $0xB;
	vm1 =	vmmov vm1  }
0x3c: {  	v3 =	vand.u32 $0xF, v3;
	v0 =	vand.u32 $0x7FFF, v0;
	v2 =	vmul.u32 $0x59000, v2  }
0x3d: {  	vm2 =	veq.s32 v1, $0x80000000;
	v7 =	vand.u32 $0x7F, v1;
	v3 =	vsel vm1, $0xFFFFFFFF, v3  }
0x3e: {  	v0 =	vsel vm1, $0xFFFFFFFF, v0;
	v8 =	vand.u32 $0x7F, v6;
	v4 =	vshrl.u32 v3, $0x3  }
0x3f: {  	v5 =	vand.u32 $0x7F, v0;
	v2 =	vsel vm1, $0xFFFA7000, v2;
	vm1 =	vmmov vm2  }
0x40: {  	v0 =	vshll.u32 v0, $0x3;
	v3 =	vshll.u32 v3, $0x7;
	v4 =	vmul.u32 $0x2C800, v4  }
0x41: {  	v2 =	vor.u32 v2, v5;
	v0 =	vand.u32 $0xFFFFFC00, v0;
	v3 =	vand.u32 $0x380, v3  }
0x42: {  	v2 =	vadd.s32 v4, v2;
	v4 =	vshrl.u32 v1, $0x7;
	v1 =	vshrl.u32 v1, $0xB  }
0x43: {  	v0 =	vadd.s32 v0, v2;
	v2 =	vand.u32 $0xF, v4;
	v1 =	vand.u32 $0x7FFF, v1  }
0x44: {  	v0 =	vor.u32 v3, v0;
	v2 =	vsel vm1, $0xFFFFFFFF, v2;
	v3 =	vmul.u32 $0x59000, v7  }
0x45: {  	vm2 =	veq.s32 v6, $0x80000000;
	v4 =	vsel vm1, $0xFFFFFFFF, v1;
	v1 =	vshrl.u32 v2, $0x3  }
0x46: {  	s15 =	sadd.s32 $0x10, s15;
	v5 =	vand.u32 $0x7F, v4;
	v3 =	vsel vm1, $0xFFFA7000, v3;
	v7 =	vmul.u32 $0x2C800, v1  }
0x47: {  	v4 =	vshll.u32 v4, $0x3;
	v2 =	vshll.u32 v2, $0x7;
	v1 =	vld.msk [tilespmem:s15+$0x0 ss:$0x1], $0xffff;
	v3 =	vor.u32 v3, v5  }
0x48: {  	vm1 =	vmmov vm2;
	v4 =	vand.u32 $0xFFFFFC00, v4;
	v3 =	vadd.s32 v7, v3  }
0x49: {  	s14 =	sadd.s32 $0x1680, s14;
	(ifvalue) =	ssetifvalue $0x7FFFFFFF;
	v2 =	vand.u32 $0x380, v2;
	v5 =	vshrl.u32 v6, $0x7;
	v3 =	vadd.s32 v4, v3  }
0x4a: {  	[tilespmem:s14], [sflag:$0x1] =	stream.indirect_vreg.gather [hbm4b:s2+s10], $0x1, v0, vm0, $0x4038;
	v4 =	vand.u32 $0xF, v5;
	v5 =	vshrl.u32 v6, $0xB;
	v0 =	vor.u32 v2, v3;
	[tilespmem:$0x2D00] =	vst v63  }
0x4b: {  	v2 =	vsel vm1, $0xFFFFFFFF, v4;
	v3 =	vand.u32 $0x7FFF, v5;
	v4 =	vmul.u32 $0x59000, v8  }
0x4c: {  	s16 =	simm.s32 $0x30;
	s17 =	sadd.s32 $0x10, s15;
	s15 =	smov.u32 s14;
	vm2 =	veq.s32 v1, $0x80000000;
	v3 =	vsel vm1, $0xFFFFFFFF, v3;
	v5 =	vshrl.u32 v2, $0x3  }
.LBB2_3:
0x4d: {  	v7 =	vand.u32 $0x7F, v3  }
0x4e: {  	v6 =	vld.msk [tilespmem:s17+$0x0 ss:$0x1], $0xffff;
	v4 =	vsel vm1, $0xFFFA7000, v4;
	v5 =	vmul.u32 $0x2C800, v5;
	vm1 =	vmmov vm2;
	s16 =	sadd.s32 $0x10, s16  }
0x4f: {  	v8 =	vand.u32 $0x7F, v1;
	v3 =	vshll.u32 v3, $0x3;
	s15 =	sadd.s32 $0x10, s15;
	v4 =	vor.u32 v4, v7;
	(ifvalue) =	ssetifvalue $0x7FFFFFFF;
	p0 =	slt.u32 s16, $0xB30  }
0x50: {  	[tilespmem:s15], [sflag:$0x1] =	stream.indirect_vreg.gather [hbm4b:s2+s10], $0x1, v0, vm0, $0x4038;
	[tilespmem:$0x2D00] =	vst v63  }
.Ltmp3:
0x51: {  	v2 =	vshll.u32 v2, $0x7;
	v3 =	vand.u32 $0xFFFFFC00, v3;
	v4 =	vadd.s32 v5, v4;
	(pc) =	sbr.rel @p0 .LBB2_3-.Ltmp3, $4  }
0x52: {  	v2 =	vand.u32 $0x380, v2;
	v0 =	vshrl.u32 v1, $0x7;
	v3 =	vadd.s32 v3, v4  }
0x53: {  	v9 =	vshrl.u32 v1, $0xB;
	v4 =	vand.u32 $0xF, v0;
	v0 =	vor.u32 v2, v3  }
0x54: {  	v7 =	vand.u32 $0x7FFF, v9;
	v2 =	vsel vm1, $0xFFFFFFFF, v4;
	v4 =	vmul.u32 $0x59000, v8  }
0x55: {  	s17 =	sadd.s32 $0x10, s17;
	v3 =	vsel vm1, $0xFFFFFFFF, v7;
	vm2 =	veq.s32 v6, $0x80000000;
	v5 =	vshrl.u32 v2, $0x3;
	v1 =	vmovc v6  }
.Ltmp4:
0x56: {  	_ = 	snop;
	(pc) =	sbr.rel .LBB2_4-.Ltmp4, $1  }
0x57: {  	_ =	sdelay $0x3  }
.LBB2_6:
0x58: {  	_ =	sfence.sel $0x180000  }
0x59: {  	s2 =	simm.s32 $0x2;
	[bflag:$0x0] =	sbarrier.arrive $0xFFFF  }
0x5a: {  	s30 =	simm.s32 $0x3;
	[sflag:s2] =	ssyncpa.u1 $0x1  }
0x5b: {  	s31 =	simm.s32 $0x1;
	[sflag:s30] =	ssyncpa.u1 $0x1  }
0x5c: {  	[sflag:s31] =	ssyncpa.u1 $0x1  }
0x5d: {  	p0 =	sne.s32 s0, $0x0;
	_ =	strace $0x90000047  }
0x5e: {  	s0 =	sadd.s32 @!p0 $0x100000, s1;
	[bflag:$0x2] =	sbarrier.arrive $0xFFFF  }
0x5f: {  	[sflag:s0] =	ssyncadd.tile.s32 @!p0 $0x1;
	_ =	shalt  }
.Lfunc_end2:
_tile_overlayer_lowered:
.L_overlay_start_2:
0x60: {  	(tag) =	ssettag $0x2  }
0x61: {  	s0 =	rddreg [dreg:$0x0];
	s2 =	stileid.u32  }
0x62: {  	s1 =	rddreg [dreg:$0x1];
	p0 =	sne.s32 s2, $0x0  }
0x63: {  	s3 =	rddreg [dreg:$0x2];
	[bflag:$0x3] =	sbarrier.arrive $0xFFFF;
	s2 =	simm.s32 @!p0 $0x1C01  }
0x64: {  	[timem:s3], [sflag:s2] =	dma.local @!p0 [hbm:s0], s1  }
0x65: {  	s0 =	simm.s32 @!p0 $0x1  }
0x66: {  	_ =	swait.ge @!p0 [sflag:s0], s1  }
0x67: {  	s1 =	ssub.s32 @!p0 $0x0, s1;
	[sflag:s0] =	ssyncset.done @!p0 $0x0  }
0x68: {  	[sflag:s0] =	ssyncadd.s32 @!p0 s1  }
0x69: {  	[bflag:$0x3] =	sbarrier.arrive $0xFFFF  }
0x6a: {  	_ =	shalt  }

</sc_bundles>
